<compile_context>
chip_gen: v7x
topology: tpu7x:2x2x1
jax: 0.10.2.dev20260603
libtpu: 0.0.44.dev20260713+nightly
codegen_flags: <defaults>
</compile_context>

<pallas_src>
import functools

import jax
import jax.numpy as jnp
from jax import lax
from jax.experimental import pallas as pl
from jax.experimental.pallas import tpu as pltpu
from jax.experimental.pallas import tpu_sc as plsc

B, L = 4096, 200
VOCAB, HIDDEN, NUM_CLASSES = 1000000, 32, 2
HALF_L = L // 2
HP = 104

NUM_CORES, NUM_SUBCORES, LANES = 2, 16, 16
NUM_WORKERS = NUM_CORES * NUM_SUBCORES
SEQ_PER_W = B // NUM_WORKERS
OUT_PAD = LANES
NBUF = 4
GFULL = HP // LANES
GREM = HP % LANES

PROJ_BLK = 16384
PROJ_GRID = -(-VOCAB // PROJ_BLK)
VOCAB_PAD = PROJ_BLK * PROJ_GRID

SLAB = VOCAB_PAD
SLAB_PER_T = SLAB // NUM_SUBCORES

_mesh = plsc.VectorSubcoreMesh(
    core_axis_name="c", subcore_axis_name="s",
    num_cores=NUM_CORES, num_subcores=NUM_SUBCORES,
)


def _project_body(wpadt_ref, embt_ref, out_ref):
    y = lax.dot_general(
        wpadt_ref[...], embt_ref[...],
        dimension_numbers=(((0,), (0,)), ((), ())),
        preferred_element_type=jnp.float32)
    u0 = lax.convert_element_type(
        lax.bitcast_convert_type(y[0:1].astype(jnp.bfloat16), jnp.uint16),
        jnp.uint32)
    u1 = lax.convert_element_type(
        lax.bitcast_convert_type(y[1:2].astype(jnp.bfloat16), jnp.uint16),
        jnp.uint32)
    packed = lax.bitcast_convert_type(u0 | (u1 << 16), jnp.float32)
    out_ref[...] = jnp.concatenate(
        [packed, jnp.zeros((7, PROJ_BLK), jnp.float32)], axis=0)


_project = pl.pallas_call(
    _project_body,
    grid=(PROJ_GRID,),
    in_specs=[
        pl.BlockSpec((HIDDEN, 8), lambda i: (0, 0)),
        pl.BlockSpec((HIDDEN, PROJ_BLK), lambda i: (0, i)),
    ],
    out_specs=pl.BlockSpec((8, PROJ_BLK), lambda i: (0, i)),
    out_shape=jax.ShapeDtypeStruct((8, VOCAB_PAD), jnp.float32),
)


@functools.partial(
    pl.kernel,
    out_type=jax.ShapeDtypeStruct((B, OUT_PAD), jnp.float32),
    mesh=_mesh,
    compiler_params=pltpu.CompilerParams(
        needs_layout_passes=False, use_tc_tiling_on_sc=False),
    scratch_types=[
        pltpu.VMEM((SEQ_PER_W, 2, HP), jnp.int32),
        pltpu.VMEM((SEQ_PER_W, 2, HP), jnp.float32),
        pltpu.VMEM((NBUF, 2, HP), jnp.float32),
        pltpu.VMEM((SEQ_PER_W, OUT_PAD), jnp.float32),
        pltpu.VMEM((LANES,), jnp.float32),
        pltpu.VMEM_SHARED((SLAB,), jnp.float32),
        pltpu.SemaphoreType.DMA,
        pltpu.SemaphoreType.DMA,
        pltpu.SemaphoreType.DMA,
        pltpu.SemaphoreType.DMA,
    ],
)
def _sc_pool(idx_hbm, mask_hbm, flat_hbm, b_hbm, out_hbm,
             idx_v, mask_v, rows_v, out_v, b_v, slab_v,
             sem0, sem1, sem2, sem3):
    sems = (sem0, sem1, sem2, sem3)
    cid = lax.axis_index("c")
    sid = lax.axis_index("s")
    wid = sid * NUM_CORES + cid
    base = wid * SEQ_PER_W

    s0 = sid * SLAB_PER_T
    pltpu.sync_copy(flat_hbm.at[pl.ds(s0, SLAB_PER_T)],
                    slab_v.at[pl.ds(s0, SLAB_PER_T)])

    pltpu.sync_copy(idx_hbm.at[pl.ds(base, SEQ_PER_W)], idx_v)
    pltpu.sync_copy(mask_hbm.at[pl.ds(base, SEQ_PER_W)], mask_v)
    pltpu.sync_copy(b_hbm, b_v)
    plsc.subcore_barrier()

    b_vec = b_v[pl.ds(0, LANES)]
    zero = jnp.zeros((LANES,), jnp.float32)
    lane = lax.iota(jnp.int32, LANES)

    def copies(j, buf):
        return tuple(
            pltpu.make_async_copy(
                slab_v.at[idx_v.at[j, h]],
                rows_v.at[buf, h, pl.ds(0, HP)], sems[buf])
            for h in range(2))

    def fire(j, buf):
        for cp in copies(j, buf):
            cp.start()

    def drain(j, buf):
        for cp in copies(j, buf):
            cp.wait()

    def compute(j, buf):
        acc0 = zero
        acc1 = zero
        ms = zero
        for h in range(2):

            def group_body(g, carry):
                a0, a1, m0 = carry
                sl = pl.ds(g * LANES, LANES)
                m = mask_v[j, h, sl]
                p0, p1 = plsc.unpack(
                    plsc.bitcast(rows_v[buf, h, sl], jnp.bfloat16),
                    format=plsc.PackFormat.INTERLEAVED)
                return (a0 + p0 * m, a1 + p1 * m, m0 + m)

            acc0, acc1, ms = lax.fori_loop(
                0, GFULL, group_body, (acc0, acc1, ms))
            sl = pl.ds(HP - LANES, LANES)
            keep = jnp.where(lane >= LANES - GREM, mask_v[j, h, sl], 0.0)
            p0, p1 = plsc.unpack(
                plsc.bitcast(rows_v[buf, h, sl], jnp.bfloat16),
                format=plsc.PackFormat.INTERLEAVED)
            acc0 = acc0 + p0 * keep
            acc1 = acc1 + p1 * keep
            ms = ms + keep

        inv = jnp.full((LANES,), 1.0, jnp.float32) / jnp.broadcast_to(
            jnp.sum(ms), (LANES,))
        num = jnp.where(lane == 0, jnp.sum(acc0),
                        jnp.where(lane == 1, jnp.sum(acc1), 0.0))
        out_v[j, pl.ds(0, LANES)] = num * inv + b_vec

    for buf in range(NBUF):
        fire(jnp.int32(buf), buf)

    def ring_body(g, carry):
        j0 = g * NBUF
        for buf in range(NBUF):
            j = j0 + buf
            drain(j, buf)
            compute(j, buf)
            nxt = j + NBUF

            @pl.when(nxt < SEQ_PER_W)
            def _():
                fire(nxt, buf)
        return carry

    lax.fori_loop(0, SEQ_PER_W // NBUF, ring_body, jnp.int32(0))

    pltpu.sync_copy(out_v, out_hbm.at[pl.ds(base, SEQ_PER_W)])


def kernel(input_ids, attention_mask, embedding, W, b):
    ids = input_ids.astype(jnp.int32)
    idx2 = jnp.pad(ids.reshape(B, 2, HALF_L),
                   ((0, 0), (0, 0), (0, HP - HALF_L)))
    maskh = jnp.pad(
        attention_mask.astype(jnp.float32).reshape(B, 2, HALF_L),
        ((0, 0), (0, 0), (0, HP - HALF_L)))

    w_pad8t = jnp.zeros((HIDDEN, 8), jnp.float32).at[:, :NUM_CLASSES].set(
        W.astype(jnp.float32).T)
    b_pad = jnp.zeros((LANES,), jnp.float32).at[:NUM_CLASSES].set(
        b.astype(jnp.float32))

    proj_flat = _project(w_pad8t, embedding.T).reshape(8 * VOCAB_PAD)
    padded = _sc_pool(idx2, maskh, proj_flat, b_pad)
    return padded[:, :NUM_CLASSES]

# --- scband reference (transcript-rebuilt; emitter-appended) ---
"""Pipeline reference for scband-simple-text-classifier-4088808865878 (READ-ONLY COPY).

The authoritative reference and input builder live on the scoring server;
editing this copy changes nothing except your own understanding.
"""

import jax, jax.numpy as jnp
import numpy as np

B, L = 4096, 200
VOCAB, HIDDEN, NUM_CLASSES = 1000000, 32, 2


def setup_inputs(seed: int = 0) -> dict:
    key = jax.random.key(seed)
    k1, k2, k3 = jax.random.split(key, 3)
    input_ids = jax.random.randint(k1, (B, L), 0, VOCAB, dtype=jnp.int64 if jax.config.jax_enable_x64 else jnp.int32)
    attention_mask = jnp.ones((B, L), dtype=jnp.float32)
    embedding = jax.random.normal(k2, (VOCAB, HIDDEN), dtype=jnp.float32) * 0.02
    W = jax.random.normal(k3, (NUM_CLASSES, HIDDEN), dtype=jnp.float32) * 0.1
    b = jnp.zeros((NUM_CLASSES,), dtype=jnp.float32)
    return {"input_ids": input_ids, "attention_mask": attention_mask, "embedding": embedding, "W": W, "b": b}


def reference(input_ids, attention_mask, embedding, W, b):
    # embedding lookup (gather)
    embeddings = jnp.take(embedding, input_ids, axis=0)  # [B, L, H]
    # masked mean pooling
    mask = attention_mask[..., None]  # [B, L, 1]
    embeddings = embeddings * mask
    pooled = embeddings.sum(axis=1) / mask.sum(axis=1)  # [B, H]
    # linear classifier
    logits = pooled @ W.T + b  # [B, 2]
    return logits

if __name__ == "__main__":
    import jax
    _d = setup_inputs()
    print(jax.jit(kernel)(*tuple(_d.values())))

</pallas_src>

<mosaic_0001>
#map = affine_map<(d0, d1) -> (0, 0, 0)>
#map1 = affine_map<(d0, d1) -> (0)>
#map2 = affine_map<(d0, d1) -> (0, 0)>
module attributes {stable_mosaic.version = 14 : i64} {
  func.func @_sc_pool(%arg0: i32, %arg1: i32, %arg2: memref<4096x2x104xi32, #tpu.memory_space<hbm>>, %arg3: memref<4096x2x104xf32, #tpu.memory_space<hbm>>, %arg4: memref<8126464xf32, #tpu.memory_space<hbm>>, %arg5: memref<16xf32, #tpu.memory_space<hbm>>, %arg6: memref<4096x16xf32, #tpu.memory_space<hbm>>, %arg7: memref<128x2x104xi32, #tpu.memory_space<vmem>>, %arg8: memref<128x2x104xf32, #tpu.memory_space<vmem>>, %arg9: memref<4x2x104xf32, #tpu.memory_space<vmem>>, %arg10: memref<128x16xf32, #tpu.memory_space<vmem>>, %arg11: memref<16xf32, #tpu.memory_space<vmem>>, %arg12: memref<1015808xf32, #tpu.memory_space<vmem_shared>>, %arg13: memref<!tpu.dma_semaphore, #tpu.memory_space<semaphore_mem>>, %arg14: memref<!tpu.dma_semaphore, #tpu.memory_space<semaphore_mem>>, %arg15: memref<!tpu.dma_semaphore, #tpu.memory_space<semaphore_mem>>, %arg16: memref<!tpu.dma_semaphore, #tpu.memory_space<semaphore_mem>>) attributes {dimension_semantics = [#tpu.dimension_semantics<core_parallel>, #tpu.dimension_semantics<subcore_parallel>], iteration_bounds = array<i64: 2, 16>, scalar_prefetch = 0 : i64, scratch_operands = 10 : i64, tpu.core_type = #tpu.core_type<sc_vector_subcore>, window_params = [{transform_indices = #map}, {transform_indices = #map}, {transform_indices = #map1}, {transform_indices = #map1}, {transform_indices = #map2}]} {
    %mul3A = arith.constant 2 : i32
    %mul3A_0 = arith.muli %arg1, %mul3A : i32
    %add3A = arith.addi %mul3A_0, %arg0 : i32
    %mul3A_1 = arith.constant 128 : i32
    %mul3A_2 = arith.muli %add3A, %mul3A_1 : i32
    %mul3A_3 = arith.constant 63488 : i32
    %mul3A_4 = arith.muli %arg1, %mul3A_3 : i32
    "tpu.region"() ({
      %run_scoped3A = tpu.sem_alloc : memref<!tpu.dma_semaphore, #tpu.memory_space<semaphore_mem>>
      %dma_start3A_107 = tpu.memref_slice %arg12[%mul3A_4] : memref<1015808xf32, #tpu.memory_space<vmem_shared>> -> memref<63488xf32, #tpu.memory_space<vmem_shared>>
      %dma_start3A_108 = tpu.memref_slice %arg4[%mul3A_4] : memref<8126464xf32, #tpu.memory_space<hbm>> -> memref<63488xf32, #tpu.memory_space<hbm>>
      tpu.enqueue_dma source(%dma_start3A_108 : memref<63488xf32, #tpu.memory_space<hbm>>) target(%dma_start3A_107 : memref<63488xf32, #tpu.memory_space<vmem_shared>>) target_semaphore(%run_scoped3A : memref<!tpu.dma_semaphore, #tpu.memory_space<semaphore_mem>>)
      %dma_wait3A = tpu.memref_slice %arg12[%mul3A_4] : memref<1015808xf32, #tpu.memory_space<vmem_shared>> -> memref<63488xf32, #tpu.memory_space<vmem_shared>>
      %dma_wait3A_109 = tpu.memref_slice %arg4[%mul3A_4] : memref<8126464xf32, #tpu.memory_space<hbm>> -> memref<63488xf32, #tpu.memory_space<hbm>>
      tpu.wait_dma2 semaphore(%run_scoped3A : memref<!tpu.dma_semaphore, #tpu.memory_space<semaphore_mem>>) src(%dma_wait3A_109 : memref<63488xf32, #tpu.memory_space<hbm>>) dst(%dma_wait3A : memref<63488xf32, #tpu.memory_space<vmem_shared>>)
      tpu.yield
    }) : () -> ()
    "tpu.region"() ({
      %run_scoped3A = tpu.sem_alloc : memref<!tpu.dma_semaphore, #tpu.memory_space<semaphore_mem>>
      %dma_start3A_107 = arith.constant 0 : i32
      %dma_start3A_108 = arith.constant 0 : i32
      %dma_start3A_109 = tpu.memref_slice %arg2[%mul3A_2, %dma_start3A_107, %dma_start3A_108] : memref<4096x2x104xi32, #tpu.memory_space<hbm>> -> memref<128x2x104xi32, #tpu.memory_space<hbm>>
      %dma_start3A_110 = arith.constant 0 : i32
      %dma_start3A_111 = arith.constant 0 : i32
      %dma_start3A_112 = tpu.memref_slice %arg2[%mul3A_2, %dma_start3A_110, %dma_start3A_111] : memref<4096x2x104xi32, #tpu.memory_space<hbm>> -> memref<128x2x104xi32, #tpu.memory_space<hbm>>
      tpu.enqueue_dma source(%dma_start3A_112 : memref<128x2x104xi32, #tpu.memory_space<hbm>>) target(%arg7 : memref<128x2x104xi32, #tpu.memory_space<vmem>>) target_semaphore(%run_scoped3A : memref<!tpu.dma_semaphore, #tpu.memory_space<semaphore_mem>>)
      %dma_wait3A = arith.constant 0 : i32
      %dma_wait3A_113 = arith.constant 0 : i32
      %dma_wait3A_114 = tpu.memref_slice %arg2[%mul3A_2, %dma_wait3A, %dma_wait3A_113] : memref<4096x2x104xi32, #tpu.memory_space<hbm>> -> memref<128x2x104xi32, #tpu.memory_space<hbm>>
      %dma_wait3A_115 = arith.constant 0 : i32
      %dma_wait3A_116 = arith.constant 0 : i32
      %dma_wait3A_117 = tpu.memref_slice %arg2[%mul3A_2, %dma_wait3A_115, %dma_wait3A_116] : memref<4096x2x104xi32, #tpu.memory_space<hbm>> -> memref<128x2x104xi32, #tpu.memory_space<hbm>>
      tpu.wait_dma2 semaphore(%run_scoped3A : memref<!tpu.dma_semaphore, #tpu.memory_space<semaphore_mem>>) src(%dma_wait3A_117 : memref<128x2x104xi32, #tpu.memory_space<hbm>>) dst(%arg7 : memref<128x2x104xi32, #tpu.memory_space<vmem>>)
      tpu.yield
    }) : () -> ()
    "tpu.region"() ({
      %run_scoped3A = tpu.sem_alloc : memref<!tpu.dma_semaphore, #tpu.memory_space<semaphore_mem>>
      %dma_start3A_107 = arith.constant 0 : i32
      %dma_start3A_108 = arith.constant 0 : i32
      %dma_start3A_109 = tpu.memref_slice %arg3[%mul3A_2, %dma_start3A_107, %dma_start3A_108] : memref<4096x2x104xf32, #tpu.memory_space<hbm>> -> memref<128x2x104xf32, #tpu.memory_space<hbm>>
      %dma_start3A_110 = arith.constant 0 : i32
      %dma_start3A_111 = arith.constant 0 : i32
      %dma_start3A_112 = tpu.memref_slice %arg3[%mul3A_2, %dma_start3A_110, %dma_start3A_111] : memref<4096x2x104xf32, #tpu.memory_space<hbm>> -> memref<128x2x104xf32, #tpu.memory_space<hbm>>
      tpu.enqueue_dma source(%dma_start3A_112 : memref<128x2x104xf32, #tpu.memory_space<hbm>>) target(%arg8 : memref<128x2x104xf32, #tpu.memory_space<vmem>>) target_semaphore(%run_scoped3A : memref<!tpu.dma_semaphore, #tpu.memory_space<semaphore_mem>>)
      %dma_wait3A = arith.constant 0 : i32
      %dma_wait3A_113 = arith.constant 0 : i32
      %dma_wait3A_114 = tpu.memref_slice %arg3[%mul3A_2, %dma_wait3A, %dma_wait3A_113] : memref<4096x2x104xf32, #tpu.memory_space<hbm>> -> memref<128x2x104xf32, #tpu.memory_space<hbm>>
      %dma_wait3A_115 = arith.constant 0 : i32
      %dma_wait3A_116 = arith.constant 0 : i32
      %dma_wait3A_117 = tpu.memref_slice %arg3[%mul3A_2, %dma_wait3A_115, %dma_wait3A_116] : memref<4096x2x104xf32, #tpu.memory_space<hbm>> -> memref<128x2x104xf32, #tpu.memory_space<hbm>>
      tpu.wait_dma2 semaphore(%run_scoped3A : memref<!tpu.dma_semaphore, #tpu.memory_space<semaphore_mem>>) src(%dma_wait3A_117 : memref<128x2x104xf32, #tpu.memory_space<hbm>>) dst(%arg8 : memref<128x2x104xf32, #tpu.memory_space<vmem>>)
      tpu.yield
    }) : () -> ()
    "tpu.region"() ({
      %run_scoped3A = tpu.sem_alloc : memref<!tpu.dma_semaphore, #tpu.memory_space<semaphore_mem>>
      tpu.enqueue_dma source(%arg5 : memref<16xf32, #tpu.memory_space<hbm>>) target(%arg11 : memref<16xf32, #tpu.memory_space<vmem>>) target_semaphore(%run_scoped3A : memref<!tpu.dma_semaphore, #tpu.memory_space<semaphore_mem>>)
      tpu.wait_dma2 semaphore(%run_scoped3A : memref<!tpu.dma_semaphore, #tpu.memory_space<semaphore_mem>>) src(%arg5 : memref<16xf32, #tpu.memory_space<hbm>>) dst(%arg11 : memref<16xf32, #tpu.memory_space<vmem>>)
      tpu.yield
    }) : () -> ()
    %barrier3A = arith.constant 0 : index
    tpu.barrier barrier_id(%barrier3A)
    %get3A = arith.constant 0 : index
    %get3A_5 = tpu.vector_load %arg11[%get3A] {strides = array<i32>} : memref<16xf32, #tpu.memory_space<vmem>>, vector<16xf32>,
    %broadcast_in_dim3A = arith.constant 0.000000e+00 : f32
    %broadcast_in_dim3A_6 = vector.broadcast %broadcast_in_dim3A : f32 to vector<16xf32>
    %iota3A = tpu.iota {dimensions = array<i32: 0>} : vector<16xi32>
    %dma_start3A = arith.constant 0 : i32
    %dma_start3A_7 = arith.constant 0 : i32
    %dma_start3A_8 = arith.constant 0 : i32
    %dma_start3A_9 = arith.constant 0 : i32
    %dma_start3A_10 = arith.constant 0 : i32
    %dma_start3A_11 = tpu.memref_slice %arg9[%dma_start3A_8, %dma_start3A_9, %dma_start3A_10] : memref<4x2x104xf32, #tpu.memory_space<vmem>> -> memref<1x1x104xf32, #tpu.memory_space<vmem>>
    %dma_start3A_12 = tpu.memref_squeeze %dma_start3A_11 : memref<1x1x104xf32, #tpu.memory_space<vmem>> -> memref<104xf32, #tpu.memory_space<vmem>>
    %dma_start3A_13 = arith.constant 0 : i32
    %dma_start3A_14 = tpu.memref_slice %arg7[%dma_start3A, %dma_start3A_7, %dma_start3A_13] : memref<128x2x104xi32, #tpu.memory_space<vmem>> -> memref<1x1x104xi32, #tpu.memory_space<vmem>>
    %dma_start3A_15 = tpu.memref_squeeze %dma_start3A_14 : memref<1x1x104xi32, #tpu.memory_space<vmem>> -> memref<104xi32, #tpu.memory_space<vmem>>
    %dma_start3A_16 = arith.constant 0 : i32
    %dma_start3A_17 = tpu.memref_slice %arg12[%dma_start3A_16] : memref<1015808xf32, #tpu.memory_space<vmem_shared>> -> memref<1015808xf32, #tpu.memory_space<vmem_shared>>
    tpu.enqueue_indirect_dma source(%dma_start3A_17 : memref<1015808xf32, #tpu.memory_space<vmem_shared>>) target(%dma_start3A_12 : memref<104xf32, #tpu.memory_space<vmem>>) offsets(%dma_start3A_15 : memref<104xi32, #tpu.memory_space<vmem>>) semaphore(%arg13 : memref<!tpu.dma_semaphore, #tpu.memory_space<semaphore_mem>>)
    %dma_start3A_18 = arith.constant 0 : i32
    %dma_start3A_19 = arith.constant 1 : i32
    %dma_start3A_20 = arith.constant 0 : i32
    %dma_start3A_21 = arith.constant 1 : i32
    %dma_start3A_22 = arith.constant 0 : i32
    %dma_start3A_23 = tpu.memref_slice %arg9[%dma_start3A_20, %dma_start3A_21, %dma_start3A_22] : memref<4x2x104xf32, #tpu.memory_space<vmem>> -> memref<1x1x104xf32, #tpu.memory_space<vmem>>
    %dma_start3A_24 = tpu.memref_squeeze %dma_start3A_23 : memref<1x1x104xf32, #tpu.memory_space<vmem>> -> memref<104xf32, #tpu.memory_space<vmem>>
    %dma_start3A_25 = arith.constant 0 : i32
    %dma_start3A_26 = tpu.memref_slice %arg7[%dma_start3A_18, %dma_start3A_19, %dma_start3A_25] : memref<128x2x104xi32, #tpu.memory_space<vmem>> -> memref<1x1x104xi32, #tpu.memory_space<vmem>>
    %dma_start3A_27 = tpu.memref_squeeze %dma_start3A_26 : memref<1x1x104xi32, #tpu.memory_space<vmem>> -> memref<104xi32, #tpu.memory_space<vmem>>
    %dma_start3A_28 = arith.constant 0 : i32
    %dma_start3A_29 = tpu.memref_slice %arg12[%dma_start3A_28] : memref<1015808xf32, #tpu.memory_space<vmem_shared>> -> memref<1015808xf32, #tpu.memory_space<vmem_shared>>
    tpu.enqueue_indirect_dma source(%dma_start3A_29 : memref<1015808xf32, #tpu.memory_space<vmem_shared>>) target(%dma_start3A_24 : memref<104xf32, #tpu.memory_space<vmem>>) offsets(%dma_start3A_27 : memref<104xi32, #tpu.memory_space<vmem>>) semaphore(%arg13 : memref<!tpu.dma_semaphore, #tpu.memory_space<semaphore_mem>>)
    %dma_start3A_30 = arith.constant 1 : i32
    %dma_start3A_31 = arith.constant 0 : i32
    %dma_start3A_32 = arith.constant 1 : i32
    %dma_start3A_33 = arith.constant 0 : i32
    %dma_start3A_34 = arith.constant 0 : i32
    %dma_start3A_35 = tpu.memref_slice %arg9[%dma_start3A_32, %dma_start3A_33, %dma_start3A_34] : memref<4x2x104xf32, #tpu.memory_space<vmem>> -> memref<1x1x104xf32, #tpu.memory_space<vmem>>
    %dma_start3A_36 = tpu.memref_squeeze %dma_start3A_35 : memref<1x1x104xf32, #tpu.memory_space<vmem>> -> memref<104xf32, #tpu.memory_space<vmem>>
    %dma_start3A_37 = arith.constant 0 : i32
    %dma_start3A_38 = tpu.memref_slice %arg7[%dma_start3A_30, %dma_start3A_31, %dma_start3A_37] : memref<128x2x104xi32, #tpu.memory_space<vmem>> -> memref<1x1x104xi32, #tpu.memory_space<vmem>>
    %dma_start3A_39 = tpu.memref_squeeze %dma_start3A_38 : memref<1x1x104xi32, #tpu.memory_space<vmem>> -> memref<104xi32, #tpu.memory_space<vmem>>
    %dma_start3A_40 = arith.constant 0 : i32
    %dma_start3A_41 = tpu.memref_slice %arg12[%dma_start3A_40] : memref<1015808xf32, #tpu.memory_space<vmem_shared>> -> memref<1015808xf32, #tpu.memory_space<vmem_shared>>
    tpu.enqueue_indirect_dma source(%dma_start3A_41 : memref<1015808xf32, #tpu.memory_space<vmem_shared>>) target(%dma_start3A_36 : memref<104xf32, #tpu.memory_space<vmem>>) offsets(%dma_start3A_39 : memref<104xi32, #tpu.memory_space<vmem>>) semaphore(%arg14 : memref<!tpu.dma_semaphore, #tpu.memory_space<semaphore_mem>>)
    %dma_start3A_42 = arith.constant 1 : i32
    %dma_start3A_43 = arith.constant 1 : i32
    %dma_start3A_44 = arith.constant 1 : i32
    %dma_start3A_45 = arith.constant 1 : i32
    %dma_start3A_46 = arith.constant 0 : i32
    %dma_start3A_47 = tpu.memref_slice %arg9[%dma_start3A_44, %dma_start3A_45, %dma_start3A_46] : memref<4x2x104xf32, #tpu.memory_space<vmem>> -> memref<1x1x104xf32, #tpu.memory_space<vmem>>
    %dma_start3A_48 = tpu.memref_squeeze %dma_start3A_47 : memref<1x1x104xf32, #tpu.memory_space<vmem>> -> memref<104xf32, #tpu.memory_space<vmem>>
    %dma_start3A_49 = arith.constant 0 : i32
    %dma_start3A_50 = tpu.memref_slice %arg7[%dma_start3A_42, %dma_start3A_43, %dma_start3A_49] : memref<128x2x104xi32, #tpu.memory_space<vmem>> -> memref<1x1x104xi32, #tpu.memory_space<vmem>>
    %dma_start3A_51 = tpu.memref_squeeze %dma_start3A_50 : memref<1x1x104xi32, #tpu.memory_space<vmem>> -> memref<104xi32, #tpu.memory_space<vmem>>
    %dma_start3A_52 = arith.constant 0 : i32
    %dma_start3A_53 = tpu.memref_slice %arg12[%dma_start3A_52] : memref<1015808xf32, #tpu.memory_space<vmem_shared>> -> memref<1015808xf32, #tpu.memory_space<vmem_shared>>
    tpu.enqueue_indirect_dma source(%dma_start3A_53 : memref<1015808xf32, #tpu.memory_space<vmem_shared>>) target(%dma_start3A_48 : memref<104xf32, #tpu.memory_space<vmem>>) offsets(%dma_start3A_51 : memref<104xi32, #tpu.memory_space<vmem>>) semaphore(%arg14 : memref<!tpu.dma_semaphore, #tpu.memory_space<semaphore_mem>>)
    %dma_start3A_54 = arith.constant 2 : i32
    %dma_start3A_55 = arith.constant 0 : i32
    %dma_start3A_56 = arith.constant 2 : i32
    %dma_start3A_57 = arith.constant 0 : i32
    %dma_start3A_58 = arith.constant 0 : i32
    %dma_start3A_59 = tpu.memref_slice %arg9[%dma_start3A_56, %dma_start3A_57, %dma_start3A_58] : memref<4x2x104xf32, #tpu.memory_space<vmem>> -> memref<1x1x104xf32, #tpu.memory_space<vmem>>
    %dma_start3A_60 = tpu.memref_squeeze %dma_start3A_59 : memref<1x1x104xf32, #tpu.memory_space<vmem>> -> memref<104xf32, #tpu.memory_space<vmem>>
    %dma_start3A_61 = arith.constant 0 : i32
    %dma_start3A_62 = tpu.memref_slice %arg7[%dma_start3A_54, %dma_start3A_55, %dma_start3A_61] : memref<128x2x104xi32, #tpu.memory_space<vmem>> -> memref<1x1x104xi32, #tpu.memory_space<vmem>>
    %dma_start3A_63 = tpu.memref_squeeze %dma_start3A_62 : memref<1x1x104xi32, #tpu.memory_space<vmem>> -> memref<104xi32, #tpu.memory_space<vmem>>
    %dma_start3A_64 = arith.constant 0 : i32
    %dma_start3A_65 = tpu.memref_slice %arg12[%dma_start3A_64] : memref<1015808xf32, #tpu.memory_space<vmem_shared>> -> memref<1015808xf32, #tpu.memory_space<vmem_shared>>
    tpu.enqueue_indirect_dma source(%dma_start3A_65 : memref<1015808xf32, #tpu.memory_space<vmem_shared>>) target(%dma_start3A_60 : memref<104xf32, #tpu.memory_space<vmem>>) offsets(%dma_start3A_63 : memref<104xi32, #tpu.memory_space<vmem>>) semaphore(%arg15 : memref<!tpu.dma_semaphore, #tpu.memory_space<semaphore_mem>>)
    %dma_start3A_66 = arith.constant 2 : i32
    %dma_start3A_67 = arith.constant 1 : i32
    %dma_start3A_68 = arith.constant 2 : i32
    %dma_start3A_69 = arith.constant 1 : i32
    %dma_start3A_70 = arith.constant 0 : i32
    %dma_start3A_71 = tpu.memref_slice %arg9[%dma_start3A_68, %dma_start3A_69, %dma_start3A_70] : memref<4x2x104xf32, #tpu.memory_space<vmem>> -> memref<1x1x104xf32, #tpu.memory_space<vmem>>
    %dma_start3A_72 = tpu.memref_squeeze %dma_start3A_71 : memref<1x1x104xf32, #tpu.memory_space<vmem>> -> memref<104xf32, #tpu.memory_space<vmem>>
    %dma_start3A_73 = arith.constant 0 : i32
    %dma_start3A_74 = tpu.memref_slice %arg7[%dma_start3A_66, %dma_start3A_67, %dma_start3A_73] : memref<128x2x104xi32, #tpu.memory_space<vmem>> -> memref<1x1x104xi32, #tpu.memory_space<vmem>>
    %dma_start3A_75 = tpu.memref_squeeze %dma_start3A_74 : memref<1x1x104xi32, #tpu.memory_space<vmem>> -> memref<104xi32, #tpu.memory_space<vmem>>
    %dma_start3A_76 = arith.constant 0 : i32
    %dma_start3A_77 = tpu.memref_slice %arg12[%dma_start3A_76] : memref<1015808xf32, #tpu.memory_space<vmem_shared>> -> memref<1015808xf32, #tpu.memory_space<vmem_shared>>
    tpu.enqueue_indirect_dma source(%dma_start3A_77 : memref<1015808xf32, #tpu.memory_space<vmem_shared>>) target(%dma_start3A_72 : memref<104xf32, #tpu.memory_space<vmem>>) offsets(%dma_start3A_75 : memref<104xi32, #tpu.memory_space<vmem>>) semaphore(%arg15 : memref<!tpu.dma_semaphore, #tpu.memory_space<semaphore_mem>>)
    %dma_start3A_78 = arith.constant 3 : i32
    %dma_start3A_79 = arith.constant 0 : i32
    %dma_start3A_80 = arith.constant 3 : i32
    %dma_start3A_81 = arith.constant 0 : i32
    %dma_start3A_82 = arith.constant 0 : i32
    %dma_start3A_83 = tpu.memref_slice %arg9[%dma_start3A_80, %dma_start3A_81, %dma_start3A_82] : memref<4x2x104xf32, #tpu.memory_space<vmem>> -> memref<1x1x104xf32, #tpu.memory_space<vmem>>
    %dma_start3A_84 = tpu.memref_squeeze %dma_start3A_83 : memref<1x1x104xf32, #tpu.memory_space<vmem>> -> memref<104xf32, #tpu.memory_space<vmem>>
    %dma_start3A_85 = arith.constant 0 : i32
    %dma_start3A_86 = tpu.memref_slice %arg7[%dma_start3A_78, %dma_start3A_79, %dma_start3A_85] : memref<128x2x104xi32, #tpu.memory_space<vmem>> -> memref<1x1x104xi32, #tpu.memory_space<vmem>>
    %dma_start3A_87 = tpu.memref_squeeze %dma_start3A_86 : memref<1x1x104xi32, #tpu.memory_space<vmem>> -> memref<104xi32, #tpu.memory_space<vmem>>
    %dma_start3A_88 = arith.constant 0 : i32
    %dma_start3A_89 = tpu.memref_slice %arg12[%dma_start3A_88] : memref<1015808xf32, #tpu.memory_space<vmem_shared>> -> memref<1015808xf32, #tpu.memory_space<vmem_shared>>
    tpu.enqueue_indirect_dma source(%dma_start3A_89 : memref<1015808xf32, #tpu.memory_space<vmem_shared>>) target(%dma_start3A_84 : memref<104xf32, #tpu.memory_space<vmem>>) offsets(%dma_start3A_87 : memref<104xi32, #tpu.memory_space<vmem>>) semaphore(%arg16 : memref<!tpu.dma_semaphore, #tpu.memory_space<semaphore_mem>>)
    %dma_start3A_90 = arith.constant 3 : i32
    %dma_start3A_91 = arith.constant 1 : i32
    %dma_start3A_92 = arith.constant 3 : i32
    %dma_start3A_93 = arith.constant 1 : i32
    %dma_start3A_94 = arith.constant 0 : i32
    %dma_start3A_95 = tpu.memref_slice %arg9[%dma_start3A_92, %dma_start3A_93, %dma_start3A_94] : memref<4x2x104xf32, #tpu.memory_space<vmem>> -> memref<1x1x104xf32, #tpu.memory_space<vmem>>
    %dma_start3A_96 = tpu.memref_squeeze %dma_start3A_95 : memref<1x1x104xf32, #tpu.memory_space<vmem>> -> memref<104xf32, #tpu.memory_space<vmem>>
    %dma_start3A_97 = arith.constant 0 : i32
    %dma_start3A_98 = tpu.memref_slice %arg7[%dma_start3A_90, %dma_start3A_91, %dma_start3A_97] : memref<128x2x104xi32, #tpu.memory_space<vmem>> -> memref<1x1x104xi32, #tpu.memory_space<vmem>>
    %dma_start3A_99 = tpu.memref_squeeze %dma_start3A_98 : memref<1x1x104xi32, #tpu.memory_space<vmem>> -> memref<104xi32, #tpu.memory_space<vmem>>
    %dma_start3A_100 = arith.constant 0 : i32
    %dma_start3A_101 = tpu.memref_slice %arg12[%dma_start3A_100] : memref<1015808xf32, #tpu.memory_space<vmem_shared>> -> memref<1015808xf32, #tpu.memory_space<vmem_shared>>
    tpu.enqueue_indirect_dma source(%dma_start3A_101 : memref<1015808xf32, #tpu.memory_space<vmem_shared>>) target(%dma_start3A_96 : memref<104xf32, #tpu.memory_space<vmem>>) offsets(%dma_start3A_99 : memref<104xi32, #tpu.memory_space<vmem>>) semaphore(%arg16 : memref<!tpu.dma_semaphore, #tpu.memory_space<semaphore_mem>>)
    %scan3A = arith.constant 0 : i32
    %scan3A_102 = arith.constant 0 : i32
    %scan3A_103 = arith.constant 32 : i32
    %scan3A_104 = arith.addi %scan3A_102, %scan3A_103 : i32
    %scan3A_105 = arith.constant 1 : i32
    scf.for %scan3A_107 = %scan3A_102 to %scan3A_104 step %scan3A_105  : i32 {
      %mul3A_108 = arith.constant 4 : i32
      %mul3A_109 = arith.muli %scan3A_107, %mul3A_108 : i32
      %add3A_110 = arith.constant 0 : i32
      %add3A_111 = arith.addi %mul3A_109, %add3A_110 : i32
      %dma_wait3A = arith.constant 0 : i32
      %dma_wait3A_112 = arith.constant 0 : i32
      %dma_wait3A_113 = arith.constant 0 : i32
      %dma_wait3A_114 = arith.constant 0 : i32
      %dma_wait3A_115 = tpu.memref_slice %arg9[%dma_wait3A_112, %dma_wait3A_113, %dma_wait3A_114] : memref<4x2x104xf32, #tpu.memory_space<vmem>> -> memref<1x1x104xf32, #tpu.memory_space<vmem>>
      %dma_wait3A_116 = tpu.memref_squeeze %dma_wait3A_115 : memref<1x1x104xf32, #tpu.memory_space<vmem>> -> memref<104xf32, #tpu.memory_space<vmem>>
      %dma_wait3A_117 = arith.constant 0 : i32
      %dma_wait3A_118 = tpu.memref_slice %arg7[%add3A_111, %dma_wait3A, %dma_wait3A_117] : memref<128x2x104xi32, #tpu.memory_space<vmem>> -> memref<1x1x104xi32, #tpu.memory_space<vmem>>
      %dma_wait3A_119 = tpu.memref_squeeze %dma_wait3A_118 : memref<1x1x104xi32, #tpu.memory_space<vmem>> -> memref<104xi32, #tpu.memory_space<vmem>>
      %dma_wait3A_120 = arith.constant 0 : i32
      %dma_wait3A_121 = tpu.memref_slice %arg12[%dma_wait3A_120] : memref<1015808xf32, #tpu.memory_space<vmem_shared>> -> memref<1015808xf32, #tpu.memory_space<vmem_shared>>
      tpu.wait_indirect_dma semaphore(%arg13 : memref<!tpu.dma_semaphore, #tpu.memory_space<semaphore_mem>>) src(%dma_wait3A_121 : memref<1015808xf32, #tpu.memory_space<vmem_shared>>) dst(%dma_wait3A_116 : memref<104xf32, #tpu.memory_space<vmem>>)
      %dma_wait3A_122 = arith.constant 1 : i32
      %dma_wait3A_123 = arith.constant 0 : i32
      %dma_wait3A_124 = arith.constant 1 : i32
      %dma_wait3A_125 = arith.constant 0 : i32
      %dma_wait3A_126 = tpu.memref_slice %arg9[%dma_wait3A_123, %dma_wait3A_124, %dma_wait3A_125] : memref<4x2x104xf32, #tpu.memory_space<vmem>> -> memref<1x1x104xf32, #tpu.memory_space<vmem>>
      %dma_wait3A_127 = tpu.memref_squeeze %dma_wait3A_126 : memref<1x1x104xf32, #tpu.memory_space<vmem>> -> memref<104xf32, #tpu.memory_space<vmem>>
      %dma_wait3A_128 = arith.constant 0 : i32
      %dma_wait3A_129 = tpu.memref_slice %arg7[%add3A_111, %dma_wait3A_122, %dma_wait3A_128] : memref<128x2x104xi32, #tpu.memory_space<vmem>> -> memref<1x1x104xi32, #tpu.memory_space<vmem>>
      %dma_wait3A_130 = tpu.memref_squeeze %dma_wait3A_129 : memref<1x1x104xi32, #tpu.memory_space<vmem>> -> memref<104xi32, #tpu.memory_space<vmem>>
      %dma_wait3A_131 = arith.constant 0 : i32
      %dma_wait3A_132 = tpu.memref_slice %arg12[%dma_wait3A_131] : memref<1015808xf32, #tpu.memory_space<vmem_shared>> -> memref<1015808xf32, #tpu.memory_space<vmem_shared>>
      tpu.wait_indirect_dma semaphore(%arg13 : memref<!tpu.dma_semaphore, #tpu.memory_space<semaphore_mem>>) src(%dma_wait3A_132 : memref<1015808xf32, #tpu.memory_space<vmem_shared>>) dst(%dma_wait3A_127 : memref<104xf32, #tpu.memory_space<vmem>>)
      %scan3A_133 = arith.constant 0 : i32
      %scan3A_134 = arith.constant 6 : i32
      %scan3A_135 = arith.addi %scan3A_133, %scan3A_134 : i32
      %scan3A_136 = arith.constant 1 : i32
      %scan3A_137:3 = scf.for %scan3A_601 = %scan3A_133 to %scan3A_135 step %scan3A_136 iter_args(%scan3A_602 = %broadcast_in_dim3A_6, %scan3A_603 = %broadcast_in_dim3A_6, %scan3A_604 = %broadcast_in_dim3A_6) -> (vector<16xf32>, vector<16xf32>, vector<16xf32>)  : i32 {
        %mul3A_605 = arith.constant 16 : i32
        %mul3A_606 = arith.muli %scan3A_601, %mul3A_605 : i32
        %get3A_607 = arith.constant 0 : i32
        %get3A_608 = arith.index_cast %add3A_111 : i32 to index
        %get3A_609 = arith.index_cast %get3A_607 : i32 to index
        %get3A_610 = arith.index_cast %mul3A_606 : i32 to index
        %get3A_611 = tpu.vector_load %arg8[%get3A_608, %get3A_609, %get3A_610] {strides = array<i32>} : memref<128x2x104xf32, #tpu.memory_space<vmem>>, vector<16xf32>,
        %get3A_612 = arith.constant 0 : i32
        %get3A_613 = arith.constant 0 : i32
        %get3A_614 = arith.index_cast %get3A_612 : i32 to index
        %get3A_615 = arith.index_cast %get3A_613 : i32 to index
        %get3A_616 = arith.index_cast %mul3A_606 : i32 to index
        %get3A_617 = tpu.vector_load %arg9[%get3A_614, %get3A_615, %get3A_616] {strides = array<i32>} : memref<4x2x104xf32, #tpu.memory_space<vmem>>, vector<16xf32>,
        %bitcast3A_618 = vector.bitcast %get3A_617 : vector<16xf32> to vector<32xbf16>
        %unpack3A_619 = tpu.unpack_subelements %bitcast3A_618, 0 {pack_format = #tpu.pack_format<interleaved>} : vector<32xbf16> -> vector<16xf32>
        %unpack3A_620 = tpu.unpack_subelements %bitcast3A_618, 1 {pack_format = #tpu.pack_format<interleaved>} : vector<32xbf16> -> vector<16xf32>
        %mul3A_621 = arith.mulf %unpack3A_619, %get3A_611 : vector<16xf32>
        %add3A_622 = arith.addf %scan3A_602, %mul3A_621 : vector<16xf32>
        %mul3A_623 = arith.mulf %unpack3A_620, %get3A_611 : vector<16xf32>
        %add3A_624 = arith.addf %scan3A_603, %mul3A_623 : vector<16xf32>
        %add3A_625 = arith.addf %scan3A_604, %get3A_611 : vector<16xf32>
        scf.yield %add3A_622, %add3A_624, %add3A_625 : vector<16xf32>, vector<16xf32>, vector<16xf32>
      }
      %scan3A_138 = arith.constant 6 : i32
      %ge3A = arith.constant 8 : i32
      %ge3A_139 = vector.broadcast %ge3A : i32 to vector<16xi32>
      %ge3A_140 = arith.cmpi sge, %iota3A, %ge3A_139 : vector<16xi32>
      %get3A_141 = arith.constant 0 : i32
      %get3A_142 = arith.index_cast %add3A_111 : i32 to index
      %get3A_143 = arith.index_cast %get3A_141 : i32 to index
      %get3A_144 = arith.constant 88 : index
      %get3A_145 = tpu.vector_load %arg8[%get3A_142, %get3A_143, %get3A_144] {strides = array<i32>} : memref<128x2x104xf32, #tpu.memory_space<vmem>>, vector<16xf32>,
      %jit3A = arith.constant 0.000000e+00 : f32
      %broadcast_in_dim3A_146 = vector.broadcast %jit3A : f32 to vector<16xf32>
      %select_n3A = arith.select %ge3A_140, %get3A_145, %broadcast_in_dim3A_146 : vector<16xi1>, vector<16xf32>
      %get3A_147 = arith.constant 0 : i32
      %get3A_148 = arith.constant 0 : i32
      %get3A_149 = arith.index_cast %get3A_147 : i32 to index
      %get3A_150 = arith.index_cast %get3A_148 : i32 to index
      %get3A_151 = arith.constant 88 : index
      %get3A_152 = tpu.vector_load %arg9[%get3A_149, %get3A_150, %get3A_151] {strides = array<i32>} : memref<4x2x104xf32, #tpu.memory_space<vmem>>, vector<16xf32>,
      %bitcast3A = vector.bitcast %get3A_152 : vector<16xf32> to vector<32xbf16>
      %unpack3A = tpu.unpack_subelements %bitcast3A, 0 {pack_format = #tpu.pack_format<interleaved>} : vector<32xbf16> -> vector<16xf32>
      %unpack3A_153 = tpu.unpack_subelements %bitcast3A, 1 {pack_format = #tpu.pack_format<interleaved>} : vector<32xbf16> -> vector<16xf32>
      %mul3A_154 = arith.mulf %unpack3A, %select_n3A : vector<16xf32>
      %add3A_155 = arith.addf %scan3A_137#0, %mul3A_154 : vector<16xf32>
      %mul3A_156 = arith.mulf %unpack3A_153, %select_n3A : vector<16xf32>
      %add3A_157 = arith.addf %scan3A_137#1, %mul3A_156 : vector<16xf32>
      %add3A_158 = arith.addf %scan3A_137#2, %select_n3A : vector<16xf32>
      %scan3A_159 = arith.constant 0 : i32
      %scan3A_160 = arith.constant 6 : i32
      %scan3A_161 = arith.addi %scan3A_159, %scan3A_160 : i32
      %scan3A_162 = arith.constant 1 : i32
      %scan3A_163:3 = scf.for %scan3A_601 = %scan3A_159 to %scan3A_161 step %scan3A_162 iter_args(%scan3A_602 = %add3A_155, %scan3A_603 = %add3A_157, %scan3A_604 = %add3A_158) -> (vector<16xf32>, vector<16xf32>, vector<16xf32>)  : i32 {
        %mul3A_605 = arith.constant 16 : i32
        %mul3A_606 = arith.muli %scan3A_601, %mul3A_605 : i32
        %get3A_607 = arith.constant 1 : i32
        %get3A_608 = arith.index_cast %add3A_111 : i32 to index
        %get3A_609 = arith.index_cast %get3A_607 : i32 to index
        %get3A_610 = arith.index_cast %mul3A_606 : i32 to index
        %get3A_611 = tpu.vector_load %arg8[%get3A_608, %get3A_609, %get3A_610] {strides = array<i32>} : memref<128x2x104xf32, #tpu.memory_space<vmem>>, vector<16xf32>,
        %get3A_612 = arith.constant 0 : i32
        %get3A_613 = arith.constant 1 : i32
        %get3A_614 = arith.index_cast %get3A_612 : i32 to index
        %get3A_615 = arith.index_cast %get3A_613 : i32 to index
        %get3A_616 = arith.index_cast %mul3A_606 : i32 to index
        %get3A_617 = tpu.vector_load %arg9[%get3A_614, %get3A_615, %get3A_616] {strides = array<i32>} : memref<4x2x104xf32, #tpu.memory_space<vmem>>, vector<16xf32>,
        %bitcast3A_618 = vector.bitcast %get3A_617 : vector<16xf32> to vector<32xbf16>
        %unpack3A_619 = tpu.unpack_subelements %bitcast3A_618, 0 {pack_format = #tpu.pack_format<interleaved>} : vector<32xbf16> -> vector<16xf32>
        %unpack3A_620 = tpu.unpack_subelements %bitcast3A_618, 1 {pack_format = #tpu.pack_format<interleaved>} : vector<32xbf16> -> vector<16xf32>
        %mul3A_621 = arith.mulf %unpack3A_619, %get3A_611 : vector<16xf32>
        %add3A_622 = arith.addf %scan3A_602, %mul3A_621 : vector<16xf32>
        %mul3A_623 = arith.mulf %unpack3A_620, %get3A_611 : vector<16xf32>
        %add3A_624 = arith.addf %scan3A_603, %mul3A_623 : vector<16xf32>
        %add3A_625 = arith.addf %scan3A_604, %get3A_611 : vector<16xf32>
        scf.yield %add3A_622, %add3A_624, %add3A_625 : vector<16xf32>, vector<16xf32>, vector<16xf32>
      }
      %scan3A_164 = arith.constant 6 : i32
      %ge3A_165 = arith.constant 8 : i32
      %ge3A_166 = vector.broadcast %ge3A_165 : i32 to vector<16xi32>
      %ge3A_167 = arith.cmpi sge, %iota3A, %ge3A_166 : vector<16xi32>
      %get3A_168 = arith.constant 1 : i32
      %get3A_169 = arith.index_cast %add3A_111 : i32 to index
      %get3A_170 = arith.index_cast %get3A_168 : i32 to index
      %get3A_171 = arith.constant 88 : index
      %get3A_172 = tpu.vector_load %arg8[%get3A_169, %get3A_170, %get3A_171] {strides = array<i32>} : memref<128x2x104xf32, #tpu.memory_space<vmem>>, vector<16xf32>,
      %jit3A_173 = arith.constant 0.000000e+00 : f32
      %broadcast_in_dim3A_174 = vector.broadcast %jit3A_173 : f32 to vector<16xf32>
      %select_n3A_175 = arith.select %ge3A_167, %get3A_172, %broadcast_in_dim3A_174 : vector<16xi1>, vector<16xf32>
      %get3A_176 = arith.constant 0 : i32
      %get3A_177 = arith.constant 1 : i32
      %get3A_178 = arith.index_cast %get3A_176 : i32 to index
      %get3A_179 = arith.index_cast %get3A_177 : i32 to index
      %get3A_180 = arith.constant 88 : index
      %get3A_181 = tpu.vector_load %arg9[%get3A_178, %get3A_179, %get3A_180] {strides = array<i32>} : memref<4x2x104xf32, #tpu.memory_space<vmem>>, vector<16xf32>,
      %bitcast3A_182 = vector.bitcast %get3A_181 : vector<16xf32> to vector<32xbf16>
      %unpack3A_183 = tpu.unpack_subelements %bitcast3A_182, 0 {pack_format = #tpu.pack_format<interleaved>} : vector<32xbf16> -> vector<16xf32>
      %unpack3A_184 = tpu.unpack_subelements %bitcast3A_182, 1 {pack_format = #tpu.pack_format<interleaved>} : vector<32xbf16> -> vector<16xf32>
      %mul3A_185 = arith.mulf %unpack3A_183, %select_n3A_175 : vector<16xf32>
      %add3A_186 = arith.addf %scan3A_163#0, %mul3A_185 : vector<16xf32>
      %mul3A_187 = arith.mulf %unpack3A_184, %select_n3A_175 : vector<16xf32>
      %add3A_188 = arith.addf %scan3A_163#1, %mul3A_187 : vector<16xf32>
      %add3A_189 = arith.addf %scan3A_163#2, %select_n3A_175 : vector<16xf32>
      %broadcast_in_dim3A_190 = arith.constant 1.000000e+00 : f32
      %broadcast_in_dim3A_191 = vector.broadcast %broadcast_in_dim3A_190 : f32 to vector<16xf32>
      %reduce_sum3A = arith.constant true
      %reduce_sum3A_192 = vector.broadcast %reduce_sum3A : i1 to vector<16xi1>
      %reduce_sum3A_193 = tpu.scan <sum>, %add3A_189 masked %reduce_sum3A_192 : vector<16xf32>, vector<16xi1> -> vector<16xf32>
      %reduce_sum3A_194 = vector.extract %reduce_sum3A_193[15] : f32 from vector<16xf32>
      %broadcast_in_dim3A_195 = vector.broadcast %reduce_sum3A_194 : f32 to vector<16xf32>
      %div3A = arith.divf %broadcast_in_dim3A_191, %broadcast_in_dim3A_195 : vector<16xf32>
      %eq3A = arith.constant 0 : i32
      %eq3A_196 = vector.broadcast %eq3A : i32 to vector<16xi32>
      %eq3A_197 = arith.cmpi eq, %iota3A, %eq3A_196 : vector<16xi32>
      %reduce_sum3A_198 = arith.constant true
      %reduce_sum3A_199 = vector.broadcast %reduce_sum3A_198 : i1 to vector<16xi1>
      %reduce_sum3A_200 = tpu.scan <sum>, %add3A_186 masked %reduce_sum3A_199 : vector<16xf32>, vector<16xi1> -> vector<16xf32>
      %reduce_sum3A_201 = vector.extract %reduce_sum3A_200[15] : f32 from vector<16xf32>
      %eq3A_202 = arith.constant 1 : i32
      %eq3A_203 = vector.broadcast %eq3A_202 : i32 to vector<16xi32>
      %eq3A_204 = arith.cmpi eq, %iota3A, %eq3A_203 : vector<16xi32>
      %reduce_sum3A_205 = arith.constant true
      %reduce_sum3A_206 = vector.broadcast %reduce_sum3A_205 : i1 to vector<16xi1>
      %reduce_sum3A_207 = tpu.scan <sum>, %add3A_188 masked %reduce_sum3A_206 : vector<16xf32>, vector<16xi1> -> vector<16xf32>
      %reduce_sum3A_208 = vector.extract %reduce_sum3A_207[15] : f32 from vector<16xf32>
      %jit3A_209 = arith.constant 0.000000e+00 : f32
      %broadcast_in_dim3A_210 = vector.broadcast %reduce_sum3A_208 : f32 to vector<16xf32>
      %broadcast_in_dim3A_211 = vector.broadcast %jit3A_209 : f32 to vector<16xf32>
      %select_n3A_212 = arith.select %eq3A_204, %broadcast_in_dim3A_210, %broadcast_in_dim3A_211 : vector<16xi1>, vector<16xf32>
      %broadcast_in_dim3A_213 = vector.broadcast %reduce_sum3A_201 : f32 to vector<16xf32>
      %select_n3A_214 = arith.select %eq3A_197, %broadcast_in_dim3A_213, %select_n3A_212 : vector<16xi1>, vector<16xf32>
      %mul3A_215 = arith.mulf %select_n3A_214, %div3A : vector<16xf32>
      %add3A_216 = arith.addf %mul3A_215, %get3A_5 : vector<16xf32>
      %swap3A = arith.index_cast %add3A_111 : i32 to index
      %swap3A_217 = arith.constant 0 : index
      %swap3A_218 = tpu.vector_load %arg10[%swap3A, %swap3A_217] {strides = array<i32>} : memref<128x16xf32, #tpu.memory_space<vmem>>, vector<16xf32>,
      tpu.vector_store %arg10[%swap3A, %swap3A_217], %add3A_216 {strides = array<i32>} : memref<128x16xf32, #tpu.memory_space<vmem>>, vector<16xf32>,
      %add3A_219 = arith.constant 4 : i32
      %add3A_220 = arith.addi %add3A_111, %add3A_219 : i32
      %lt3A = arith.constant 128 : i32
      %lt3A_221 = arith.cmpi slt, %add3A_220, %lt3A : i32
      %convert_element_type3A = arith.extui %lt3A_221 : i1 to i32
      %cond3A = arith.constant 0 : i32
      %cond3A_222 = arith.cmpi ne, %convert_element_type3A, %cond3A : i32
      scf.if %cond3A_222 {
        %dma_start3A_601 = arith.constant 0 : i32
        %dma_start3A_602 = arith.constant 0 : i32
        %dma_start3A_603 = arith.constant 0 : i32
        %dma_start3A_604 = arith.constant 0 : i32
        %dma_start3A_605 = tpu.memref_slice %arg9[%dma_start3A_602, %dma_start3A_603, %dma_start3A_604] : memref<4x2x104xf32, #tpu.memory_space<vmem>> -> memref<1x1x104xf32, #tpu.memory_space<vmem>>
        %dma_start3A_606 = tpu.memref_squeeze %dma_start3A_605 : memref<1x1x104xf32, #tpu.memory_space<vmem>> -> memref<104xf32, #tpu.memory_space<vmem>>
        %dma_start3A_607 = arith.constant 0 : i32
        %dma_start3A_608 = tpu.memref_slice %arg7[%add3A_220, %dma_start3A_601, %dma_start3A_607] : memref<128x2x104xi32, #tpu.memory_space<vmem>> -> memref<1x1x104xi32, #tpu.memory_space<vmem>>
        %dma_start3A_609 = tpu.memref_squeeze %dma_start3A_608 : memref<1x1x104xi32, #tpu.memory_space<vmem>> -> memref<104xi32, #tpu.memory_space<vmem>>
        %dma_start3A_610 = arith.constant 0 : i32
        %dma_start3A_611 = tpu.memref_slice %arg12[%dma_start3A_610] : memref<1015808xf32, #tpu.memory_space<vmem_shared>> -> memref<1015808xf32, #tpu.memory_space<vmem_shared>>
        tpu.enqueue_indirect_dma source(%dma_start3A_611 : memref<1015808xf32, #tpu.memory_space<vmem_shared>>) target(%dma_start3A_606 : memref<104xf32, #tpu.memory_space<vmem>>) offsets(%dma_start3A_609 : memref<104xi32, #tpu.memory_space<vmem>>) semaphore(%arg13 : memref<!tpu.dma_semaphore, #tpu.memory_space<semaphore_mem>>)
        %dma_start3A_612 = arith.constant 1 : i32
        %dma_start3A_613 = arith.constant 0 : i32
        %dma_start3A_614 = arith.constant 1 : i32
        %dma_start3A_615 = arith.constant 0 : i32
        %dma_start3A_616 = tpu.memref_slice %arg9[%dma_start3A_613, %dma_start3A_614, %dma_start3A_615] : memref<4x2x104xf32, #tpu.memory_space<vmem>> -> memref<1x1x104xf32, #tpu.memory_space<vmem>>
        %dma_start3A_617 = tpu.memref_squeeze %dma_start3A_616 : memref<1x1x104xf32, #tpu.memory_space<vmem>> -> memref<104xf32, #tpu.memory_space<vmem>>
        %dma_start3A_618 = arith.constant 0 : i32
        %dma_start3A_619 = tpu.memref_slice %arg7[%add3A_220, %dma_start3A_612, %dma_start3A_618] : memref<128x2x104xi32, #tpu.memory_space<vmem>> -> memref<1x1x104xi32, #tpu.memory_space<vmem>>
        %dma_start3A_620 = tpu.memref_squeeze %dma_start3A_619 : memref<1x1x104xi32, #tpu.memory_space<vmem>> -> memref<104xi32, #tpu.memory_space<vmem>>
        %dma_start3A_621 = arith.constant 0 : i32
        %dma_start3A_622 = tpu.memref_slice %arg12[%dma_start3A_621] : memref<1015808xf32, #tpu.memory_space<vmem_shared>> -> memref<1015808xf32, #tpu.memory_space<vmem_shared>>
        tpu.enqueue_indirect_dma source(%dma_start3A_622 : memref<1015808xf32, #tpu.memory_space<vmem_shared>>) target(%dma_start3A_617 : memref<104xf32, #tpu.memory_space<vmem>>) offsets(%dma_start3A_620 : memref<104xi32, #tpu.memory_space<vmem>>) semaphore(%arg13 : memref<!tpu.dma_semaphore, #tpu.memory_space<semaphore_mem>>)
      } else {
      }
      %add3A_223 = arith.constant 1 : i32
      %add3A_224 = arith.addi %mul3A_109, %add3A_223 : i32
      %dma_wait3A_225 = arith.constant 0 : i32
      %dma_wait3A_226 = arith.constant 1 : i32
      %dma_wait3A_227 = arith.constant 0 : i32
      %dma_wait3A_228 = arith.constant 0 : i32
      %dma_wait3A_229 = tpu.memref_slice %arg9[%dma_wait3A_226, %dma_wait3A_227, %dma_wait3A_228] : memref<4x2x104xf32, #tpu.memory_space<vmem>> -> memref<1x1x104xf32, #tpu.memory_space<vmem>>
      %dma_wait3A_230 = tpu.memref_squeeze %dma_wait3A_229 : memref<1x1x104xf32, #tpu.memory_space<vmem>> -> memref<104xf32, #tpu.memory_space<vmem>>
      %dma_wait3A_231 = arith.constant 0 : i32
      %dma_wait3A_232 = tpu.memref_slice %arg7[%add3A_224, %dma_wait3A_225, %dma_wait3A_231] : memref<128x2x104xi32, #tpu.memory_space<vmem>> -> memref<1x1x104xi32, #tpu.memory_space<vmem>>
      %dma_wait3A_233 = tpu.memref_squeeze %dma_wait3A_232 : memref<1x1x104xi32, #tpu.memory_space<vmem>> -> memref<104xi32, #tpu.memory_space<vmem>>
      %dma_wait3A_234 = arith.constant 0 : i32
      %dma_wait3A_235 = tpu.memref_slice %arg12[%dma_wait3A_234] : memref<1015808xf32, #tpu.memory_space<vmem_shared>> -> memref<1015808xf32, #tpu.memory_space<vmem_shared>>
      tpu.wait_indirect_dma semaphore(%arg14 : memref<!tpu.dma_semaphore, #tpu.memory_space<semaphore_mem>>) src(%dma_wait3A_235 : memref<1015808xf32, #tpu.memory_space<vmem_shared>>) dst(%dma_wait3A_230 : memref<104xf32, #tpu.memory_space<vmem>>)
      %dma_wait3A_236 = arith.constant 1 : i32
      %dma_wait3A_237 = arith.constant 1 : i32
      %dma_wait3A_238 = arith.constant 1 : i32
      %dma_wait3A_239 = arith.constant 0 : i32
      %dma_wait3A_240 = tpu.memref_slice %arg9[%dma_wait3A_237, %dma_wait3A_238, %dma_wait3A_239] : memref<4x2x104xf32, #tpu.memory_space<vmem>> -> memref<1x1x104xf32, #tpu.memory_space<vmem>>
      %dma_wait3A_241 = tpu.memref_squeeze %dma_wait3A_240 : memref<1x1x104xf32, #tpu.memory_space<vmem>> -> memref<104xf32, #tpu.memory_space<vmem>>
      %dma_wait3A_242 = arith.constant 0 : i32
      %dma_wait3A_243 = tpu.memref_slice %arg7[%add3A_224, %dma_wait3A_236, %dma_wait3A_242] : memref<128x2x104xi32, #tpu.memory_space<vmem>> -> memref<1x1x104xi32, #tpu.memory_space<vmem>>
      %dma_wait3A_244 = tpu.memref_squeeze %dma_wait3A_243 : memref<1x1x104xi32, #tpu.memory_space<vmem>> -> memref<104xi32, #tpu.memory_space<vmem>>
      %dma_wait3A_245 = arith.constant 0 : i32
      %dma_wait3A_246 = tpu.memref_slice %arg12[%dma_wait3A_245] : memref<1015808xf32, #tpu.memory_space<vmem_shared>> -> memref<1015808xf32, #tpu.memory_space<vmem_shared>>
      tpu.wait_indirect_dma semaphore(%arg14 : memref<!tpu.dma_semaphore, #tpu.memory_space<semaphore_mem>>) src(%dma_wait3A_246 : memref<1015808xf32, #tpu.memory_space<vmem_shared>>) dst(%dma_wait3A_241 : memref<104xf32, #tpu.memory_space<vmem>>)
      %scan3A_247 = arith.constant 0 : i32
      %scan3A_248 = arith.constant 6 : i32
      %scan3A_249 = arith.addi %scan3A_247, %scan3A_248 : i32
      %scan3A_250 = arith.constant 1 : i32
      %scan3A_251:3 = scf.for %scan3A_601 = %scan3A_247 to %scan3A_249 step %scan3A_250 iter_args(%scan3A_602 = %broadcast_in_dim3A_6, %scan3A_603 = %broadcast_in_dim3A_6, %scan3A_604 = %broadcast_in_dim3A_6) -> (vector<16xf32>, vector<16xf32>, vector<16xf32>)  : i32 {
        %mul3A_605 = arith.constant 16 : i32
        %mul3A_606 = arith.muli %scan3A_601, %mul3A_605 : i32
        %get3A_607 = arith.constant 0 : i32
        %get3A_608 = arith.index_cast %add3A_224 : i32 to index
        %get3A_609 = arith.index_cast %get3A_607 : i32 to index
        %get3A_610 = arith.index_cast %mul3A_606 : i32 to index
        %get3A_611 = tpu.vector_load %arg8[%get3A_608, %get3A_609, %get3A_610] {strides = array<i32>} : memref<128x2x104xf32, #tpu.memory_space<vmem>>, vector<16xf32>,
        %get3A_612 = arith.constant 1 : i32
        %get3A_613 = arith.constant 0 : i32
        %get3A_614 = arith.index_cast %get3A_612 : i32 to index
        %get3A_615 = arith.index_cast %get3A_613 : i32 to index
        %get3A_616 = arith.index_cast %mul3A_606 : i32 to index
        %get3A_617 = tpu.vector_load %arg9[%get3A_614, %get3A_615, %get3A_616] {strides = array<i32>} : memref<4x2x104xf32, #tpu.memory_space<vmem>>, vector<16xf32>,
        %bitcast3A_618 = vector.bitcast %get3A_617 : vector<16xf32> to vector<32xbf16>
        %unpack3A_619 = tpu.unpack_subelements %bitcast3A_618, 0 {pack_format = #tpu.pack_format<interleaved>} : vector<32xbf16> -> vector<16xf32>
        %unpack3A_620 = tpu.unpack_subelements %bitcast3A_618, 1 {pack_format = #tpu.pack_format<interleaved>} : vector<32xbf16> -> vector<16xf32>
        %mul3A_621 = arith.mulf %unpack3A_619, %get3A_611 : vector<16xf32>
        %add3A_622 = arith.addf %scan3A_602, %mul3A_621 : vector<16xf32>
        %mul3A_623 = arith.mulf %unpack3A_620, %get3A_611 : vector<16xf32>
        %add3A_624 = arith.addf %scan3A_603, %mul3A_623 : vector<16xf32>
        %add3A_625 = arith.addf %scan3A_604, %get3A_611 : vector<16xf32>
        scf.yield %add3A_622, %add3A_624, %add3A_625 : vector<16xf32>, vector<16xf32>, vector<16xf32>
      }
      %scan3A_252 = arith.constant 6 : i32
      %ge3A_253 = arith.constant 8 : i32
      %ge3A_254 = vector.broadcast %ge3A_253 : i32 to vector<16xi32>
      %ge3A_255 = arith.cmpi sge, %iota3A, %ge3A_254 : vector<16xi32>
      %get3A_256 = arith.constant 0 : i32
      %get3A_257 = arith.index_cast %add3A_224 : i32 to index
      %get3A_258 = arith.index_cast %get3A_256 : i32 to index
      %get3A_259 = arith.constant 88 : index
      %get3A_260 = tpu.vector_load %arg8[%get3A_257, %get3A_258, %get3A_259] {strides = array<i32>} : memref<128x2x104xf32, #tpu.memory_space<vmem>>, vector<16xf32>,
      %jit3A_261 = arith.constant 0.000000e+00 : f32
      %broadcast_in_dim3A_262 = vector.broadcast %jit3A_261 : f32 to vector<16xf32>
      %select_n3A_263 = arith.select %ge3A_255, %get3A_260, %broadcast_in_dim3A_262 : vector<16xi1>, vector<16xf32>
      %get3A_264 = arith.constant 1 : i32
      %get3A_265 = arith.constant 0 : i32
      %get3A_266 = arith.index_cast %get3A_264 : i32 to index
      %get3A_267 = arith.index_cast %get3A_265 : i32 to index
      %get3A_268 = arith.constant 88 : index
      %get3A_269 = tpu.vector_load %arg9[%get3A_266, %get3A_267, %get3A_268] {strides = array<i32>} : memref<4x2x104xf32, #tpu.memory_space<vmem>>, vector<16xf32>,
      %bitcast3A_270 = vector.bitcast %get3A_269 : vector<16xf32> to vector<32xbf16>
      %unpack3A_271 = tpu.unpack_subelements %bitcast3A_270, 0 {pack_format = #tpu.pack_format<interleaved>} : vector<32xbf16> -> vector<16xf32>
      %unpack3A_272 = tpu.unpack_subelements %bitcast3A_270, 1 {pack_format = #tpu.pack_format<interleaved>} : vector<32xbf16> -> vector<16xf32>
      %mul3A_273 = arith.mulf %unpack3A_271, %select_n3A_263 : vector<16xf32>
      %add3A_274 = arith.addf %scan3A_251#0, %mul3A_273 : vector<16xf32>
      %mul3A_275 = arith.mulf %unpack3A_272, %select_n3A_263 : vector<16xf32>
      %add3A_276 = arith.addf %scan3A_251#1, %mul3A_275 : vector<16xf32>
      %add3A_277 = arith.addf %scan3A_251#2, %select_n3A_263 : vector<16xf32>
      %scan3A_278 = arith.constant 0 : i32
      %scan3A_279 = arith.constant 6 : i32
      %scan3A_280 = arith.addi %scan3A_278, %scan3A_279 : i32
      %scan3A_281 = arith.constant 1 : i32
      %scan3A_282:3 = scf.for %scan3A_601 = %scan3A_278 to %scan3A_280 step %scan3A_281 iter_args(%scan3A_602 = %add3A_274, %scan3A_603 = %add3A_276, %scan3A_604 = %add3A_277) -> (vector<16xf32>, vector<16xf32>, vector<16xf32>)  : i32 {
        %mul3A_605 = arith.constant 16 : i32
        %mul3A_606 = arith.muli %scan3A_601, %mul3A_605 : i32
        %get3A_607 = arith.constant 1 : i32
        %get3A_608 = arith.index_cast %add3A_224 : i32 to index
        %get3A_609 = arith.index_cast %get3A_607 : i32 to index
        %get3A_610 = arith.index_cast %mul3A_606 : i32 to index
        %get3A_611 = tpu.vector_load %arg8[%get3A_608, %get3A_609, %get3A_610] {strides = array<i32>} : memref<128x2x104xf32, #tpu.memory_space<vmem>>, vector<16xf32>,
        %get3A_612 = arith.constant 1 : i32
        %get3A_613 = arith.constant 1 : i32
        %get3A_614 = arith.index_cast %get3A_612 : i32 to index
        %get3A_615 = arith.index_cast %get3A_613 : i32 to index
        %get3A_616 = arith.index_cast %mul3A_606 : i32 to index
        %get3A_617 = tpu.vector_load %arg9[%get3A_614, %get3A_615, %get3A_616] {strides = array<i32>} : memref<4x2x104xf32, #tpu.memory_space<vmem>>, vector<16xf32>,
        %bitcast3A_618 = vector.bitcast %get3A_617 : vector<16xf32> to vector<32xbf16>
        %unpack3A_619 = tpu.unpack_subelements %bitcast3A_618, 0 {pack_format = #tpu.pack_format<interleaved>} : vector<32xbf16> -> vector<16xf32>
        %unpack3A_620 = tpu.unpack_subelements %bitcast3A_618, 1 {pack_format = #tpu.pack_format<interleaved>} : vector<32xbf16> -> vector<16xf32>
        %mul3A_621 = arith.mulf %unpack3A_619, %get3A_611 : vector<16xf32>
        %add3A_622 = arith.addf %scan3A_602, %mul3A_621 : vector<16xf32>
        %mul3A_623 = arith.mulf %unpack3A_620, %get3A_611 : vector<16xf32>
        %add3A_624 = arith.addf %scan3A_603, %mul3A_623 : vector<16xf32>
        %add3A_625 = arith.addf %scan3A_604, %get3A_611 : vector<16xf32>
        scf.yield %add3A_622, %add3A_624, %add3A_625 : vector<16xf32>, vector<16xf32>, vector<16xf32>
      }
      %scan3A_283 = arith.constant 6 : i32
      %ge3A_284 = arith.constant 8 : i32
      %ge3A_285 = vector.broadcast %ge3A_284 : i32 to vector<16xi32>
      %ge3A_286 = arith.cmpi sge, %iota3A, %ge3A_285 : vector<16xi32>
      %get3A_287 = arith.constant 1 : i32
      %get3A_288 = arith.index_cast %add3A_224 : i32 to index
      %get3A_289 = arith.index_cast %get3A_287 : i32 to index
      %get3A_290 = arith.constant 88 : index
      %get3A_291 = tpu.vector_load %arg8[%get3A_288, %get3A_289, %get3A_290] {strides = array<i32>} : memref<128x2x104xf32, #tpu.memory_space<vmem>>, vector<16xf32>,
      %jit3A_292 = arith.constant 0.000000e+00 : f32
      %broadcast_in_dim3A_293 = vector.broadcast %jit3A_292 : f32 to vector<16xf32>
      %select_n3A_294 = arith.select %ge3A_286, %get3A_291, %broadcast_in_dim3A_293 : vector<16xi1>, vector<16xf32>
      %get3A_295 = arith.constant 1 : i32
      %get3A_296 = arith.constant 1 : i32
      %get3A_297 = arith.index_cast %get3A_295 : i32 to index
      %get3A_298 = arith.index_cast %get3A_296 : i32 to index
      %get3A_299 = arith.constant 88 : index
      %get3A_300 = tpu.vector_load %arg9[%get3A_297, %get3A_298, %get3A_299] {strides = array<i32>} : memref<4x2x104xf32, #tpu.memory_space<vmem>>, vector<16xf32>,
      %bitcast3A_301 = vector.bitcast %get3A_300 : vector<16xf32> to vector<32xbf16>
      %unpack3A_302 = tpu.unpack_subelements %bitcast3A_301, 0 {pack_format = #tpu.pack_format<interleaved>} : vector<32xbf16> -> vector<16xf32>
      %unpack3A_303 = tpu.unpack_subelements %bitcast3A_301, 1 {pack_format = #tpu.pack_format<interleaved>} : vector<32xbf16> -> vector<16xf32>
      %mul3A_304 = arith.mulf %unpack3A_302, %select_n3A_294 : vector<16xf32>
      %add3A_305 = arith.addf %scan3A_282#0, %mul3A_304 : vector<16xf32>
      %mul3A_306 = arith.mulf %unpack3A_303, %select_n3A_294 : vector<16xf32>
      %add3A_307 = arith.addf %scan3A_282#1, %mul3A_306 : vector<16xf32>
      %add3A_308 = arith.addf %scan3A_282#2, %select_n3A_294 : vector<16xf32>
      %broadcast_in_dim3A_309 = arith.constant 1.000000e+00 : f32
      %broadcast_in_dim3A_310 = vector.broadcast %broadcast_in_dim3A_309 : f32 to vector<16xf32>
      %reduce_sum3A_311 = arith.constant true
      %reduce_sum3A_312 = vector.broadcast %reduce_sum3A_311 : i1 to vector<16xi1>
      %reduce_sum3A_313 = tpu.scan <sum>, %add3A_308 masked %reduce_sum3A_312 : vector<16xf32>, vector<16xi1> -> vector<16xf32>
      %reduce_sum3A_314 = vector.extract %reduce_sum3A_313[15] : f32 from vector<16xf32>
      %broadcast_in_dim3A_315 = vector.broadcast %reduce_sum3A_314 : f32 to vector<16xf32>
      %div3A_316 = arith.divf %broadcast_in_dim3A_310, %broadcast_in_dim3A_315 : vector<16xf32>
      %eq3A_317 = arith.constant 0 : i32
      %eq3A_318 = vector.broadcast %eq3A_317 : i32 to vector<16xi32>
      %eq3A_319 = arith.cmpi eq, %iota3A, %eq3A_318 : vector<16xi32>
      %reduce_sum3A_320 = arith.constant true
      %reduce_sum3A_321 = vector.broadcast %reduce_sum3A_320 : i1 to vector<16xi1>
      %reduce_sum3A_322 = tpu.scan <sum>, %add3A_305 masked %reduce_sum3A_321 : vector<16xf32>, vector<16xi1> -> vector<16xf32>
      %reduce_sum3A_323 = vector.extract %reduce_sum3A_322[15] : f32 from vector<16xf32>
      %eq3A_324 = arith.constant 1 : i32
      %eq3A_325 = vector.broadcast %eq3A_324 : i32 to vector<16xi32>
      %eq3A_326 = arith.cmpi eq, %iota3A, %eq3A_325 : vector<16xi32>
      %reduce_sum3A_327 = arith.constant true
      %reduce_sum3A_328 = vector.broadcast %reduce_sum3A_327 : i1 to vector<16xi1>
      %reduce_sum3A_329 = tpu.scan <sum>, %add3A_307 masked %reduce_sum3A_328 : vector<16xf32>, vector<16xi1> -> vector<16xf32>
      %reduce_sum3A_330 = vector.extract %reduce_sum3A_329[15] : f32 from vector<16xf32>
      %jit3A_331 = arith.constant 0.000000e+00 : f32
      %broadcast_in_dim3A_332 = vector.broadcast %reduce_sum3A_330 : f32 to vector<16xf32>
      %broadcast_in_dim3A_333 = vector.broadcast %jit3A_331 : f32 to vector<16xf32>
      %select_n3A_334 = arith.select %eq3A_326, %broadcast_in_dim3A_332, %broadcast_in_dim3A_333 : vector<16xi1>, vector<16xf32>
      %broadcast_in_dim3A_335 = vector.broadcast %reduce_sum3A_323 : f32 to vector<16xf32>
      %select_n3A_336 = arith.select %eq3A_319, %broadcast_in_dim3A_335, %select_n3A_334 : vector<16xi1>, vector<16xf32>
      %mul3A_337 = arith.mulf %select_n3A_336, %div3A_316 : vector<16xf32>
      %add3A_338 = arith.addf %mul3A_337, %get3A_5 : vector<16xf32>
      %swap3A_339 = arith.index_cast %add3A_224 : i32 to index
      %swap3A_340 = arith.constant 0 : index
      %swap3A_341 = tpu.vector_load %arg10[%swap3A_339, %swap3A_340] {strides = array<i32>} : memref<128x16xf32, #tpu.memory_space<vmem>>, vector<16xf32>,
      tpu.vector_store %arg10[%swap3A_339, %swap3A_340], %add3A_338 {strides = array<i32>} : memref<128x16xf32, #tpu.memory_space<vmem>>, vector<16xf32>,
      %add3A_342 = arith.constant 4 : i32
      %add3A_343 = arith.addi %add3A_224, %add3A_342 : i32
      %lt3A_344 = arith.constant 128 : i32
      %lt3A_345 = arith.cmpi slt, %add3A_343, %lt3A_344 : i32
      %convert_element_type3A_346 = arith.extui %lt3A_345 : i1 to i32
      %cond3A_347 = arith.constant 0 : i32
      %cond3A_348 = arith.cmpi ne, %convert_element_type3A_346, %cond3A_347 : i32
      scf.if %cond3A_348 {
        %dma_start3A_601 = arith.constant 0 : i32
        %dma_start3A_602 = arith.constant 1 : i32
        %dma_start3A_603 = arith.constant 0 : i32
        %dma_start3A_604 = arith.constant 0 : i32
        %dma_start3A_605 = tpu.memref_slice %arg9[%dma_start3A_602, %dma_start3A_603, %dma_start3A_604] : memref<4x2x104xf32, #tpu.memory_space<vmem>> -> memref<1x1x104xf32, #tpu.memory_space<vmem>>
        %dma_start3A_606 = tpu.memref_squeeze %dma_start3A_605 : memref<1x1x104xf32, #tpu.memory_space<vmem>> -> memref<104xf32, #tpu.memory_space<vmem>>
        %dma_start3A_607 = arith.constant 0 : i32
        %dma_start3A_608 = tpu.memref_slice %arg7[%add3A_343, %dma_start3A_601, %dma_start3A_607] : memref<128x2x104xi32, #tpu.memory_space<vmem>> -> memref<1x1x104xi32, #tpu.memory_space<vmem>>
        %dma_start3A_609 = tpu.memref_squeeze %dma_start3A_608 : memref<1x1x104xi32, #tpu.memory_space<vmem>> -> memref<104xi32, #tpu.memory_space<vmem>>
        %dma_start3A_610 = arith.constant 0 : i32
        %dma_start3A_611 = tpu.memref_slice %arg12[%dma_start3A_610] : memref<1015808xf32, #tpu.memory_space<vmem_shared>> -> memref<1015808xf32, #tpu.memory_space<vmem_shared>>
        tpu.enqueue_indirect_dma source(%dma_start3A_611 : memref<1015808xf32, #tpu.memory_space<vmem_shared>>) target(%dma_start3A_606 : memref<104xf32, #tpu.memory_space<vmem>>) offsets(%dma_start3A_609 : memref<104xi32, #tpu.memory_space<vmem>>) semaphore(%arg14 : memref<!tpu.dma_semaphore, #tpu.memory_space<semaphore_mem>>)
        %dma_start3A_612 = arith.constant 1 : i32
        %dma_start3A_613 = arith.constant 1 : i32
        %dma_start3A_614 = arith.constant 1 : i32
        %dma_start3A_615 = arith.constant 0 : i32
        %dma_start3A_616 = tpu.memref_slice %arg9[%dma_start3A_613, %dma_start3A_614, %dma_start3A_615] : memref<4x2x104xf32, #tpu.memory_space<vmem>> -> memref<1x1x104xf32, #tpu.memory_space<vmem>>
        %dma_start3A_617 = tpu.memref_squeeze %dma_start3A_616 : memref<1x1x104xf32, #tpu.memory_space<vmem>> -> memref<104xf32, #tpu.memory_space<vmem>>
        %dma_start3A_618 = arith.constant 0 : i32
        %dma_start3A_619 = tpu.memref_slice %arg7[%add3A_343, %dma_start3A_612, %dma_start3A_618] : memref<128x2x104xi32, #tpu.memory_space<vmem>> -> memref<1x1x104xi32, #tpu.memory_space<vmem>>
        %dma_start3A_620 = tpu.memref_squeeze %dma_start3A_619 : memref<1x1x104xi32, #tpu.memory_space<vmem>> -> memref<104xi32, #tpu.memory_space<vmem>>
        %dma_start3A_621 = arith.constant 0 : i32
        %dma_start3A_622 = tpu.memref_slice %arg12[%dma_start3A_621] : memref<1015808xf32, #tpu.memory_space<vmem_shared>> -> memref<1015808xf32, #tpu.memory_space<vmem_shared>>
        tpu.enqueue_indirect_dma source(%dma_start3A_622 : memref<1015808xf32, #tpu.memory_space<vmem_shared>>) target(%dma_start3A_617 : memref<104xf32, #tpu.memory_space<vmem>>) offsets(%dma_start3A_620 : memref<104xi32, #tpu.memory_space<vmem>>) semaphore(%arg14 : memref<!tpu.dma_semaphore, #tpu.memory_space<semaphore_mem>>)
      } else {
      }
      %add3A_349 = arith.constant 2 : i32
      %add3A_350 = arith.addi %mul3A_109, %add3A_349 : i32
      %dma_wait3A_351 = arith.constant 0 : i32
      %dma_wait3A_352 = arith.constant 2 : i32
      %dma_wait3A_353 = arith.constant 0 : i32
      %dma_wait3A_354 = arith.constant 0 : i32
      %dma_wait3A_355 = tpu.memref_slice %arg9[%dma_wait3A_352, %dma_wait3A_353, %dma_wait3A_354] : memref<4x2x104xf32, #tpu.memory_space<vmem>> -> memref<1x1x104xf32, #tpu.memory_space<vmem>>
      %dma_wait3A_356 = tpu.memref_squeeze %dma_wait3A_355 : memref<1x1x104xf32, #tpu.memory_space<vmem>> -> memref<104xf32, #tpu.memory_space<vmem>>
      %dma_wait3A_357 = arith.constant 0 : i32
      %dma_wait3A_358 = tpu.memref_slice %arg7[%add3A_350, %dma_wait3A_351, %dma_wait3A_357] : memref<128x2x104xi32, #tpu.memory_space<vmem>> -> memref<1x1x104xi32, #tpu.memory_space<vmem>>
      %dma_wait3A_359 = tpu.memref_squeeze %dma_wait3A_358 : memref<1x1x104xi32, #tpu.memory_space<vmem>> -> memref<104xi32, #tpu.memory_space<vmem>>
      %dma_wait3A_360 = arith.constant 0 : i32
      %dma_wait3A_361 = tpu.memref_slice %arg12[%dma_wait3A_360] : memref<1015808xf32, #tpu.memory_space<vmem_shared>> -> memref<1015808xf32, #tpu.memory_space<vmem_shared>>
      tpu.wait_indirect_dma semaphore(%arg15 : memref<!tpu.dma_semaphore, #tpu.memory_space<semaphore_mem>>) src(%dma_wait3A_361 : memref<1015808xf32, #tpu.memory_space<vmem_shared>>) dst(%dma_wait3A_356 : memref<104xf32, #tpu.memory_space<vmem>>)
      %dma_wait3A_362 = arith.constant 1 : i32
      %dma_wait3A_363 = arith.constant 2 : i32
      %dma_wait3A_364 = arith.constant 1 : i32
      %dma_wait3A_365 = arith.constant 0 : i32
      %dma_wait3A_366 = tpu.memref_slice %arg9[%dma_wait3A_363, %dma_wait3A_364, %dma_wait3A_365] : memref<4x2x104xf32, #tpu.memory_space<vmem>> -> memref<1x1x104xf32, #tpu.memory_space<vmem>>
      %dma_wait3A_367 = tpu.memref_squeeze %dma_wait3A_366 : memref<1x1x104xf32, #tpu.memory_space<vmem>> -> memref<104xf32, #tpu.memory_space<vmem>>
      %dma_wait3A_368 = arith.constant 0 : i32
      %dma_wait3A_369 = tpu.memref_slice %arg7[%add3A_350, %dma_wait3A_362, %dma_wait3A_368] : memref<128x2x104xi32, #tpu.memory_space<vmem>> -> memref<1x1x104xi32, #tpu.memory_space<vmem>>
      %dma_wait3A_370 = tpu.memref_squeeze %dma_wait3A_369 : memref<1x1x104xi32, #tpu.memory_space<vmem>> -> memref<104xi32, #tpu.memory_space<vmem>>
      %dma_wait3A_371 = arith.constant 0 : i32
      %dma_wait3A_372 = tpu.memref_slice %arg12[%dma_wait3A_371] : memref<1015808xf32, #tpu.memory_space<vmem_shared>> -> memref<1015808xf32, #tpu.memory_space<vmem_shared>>
      tpu.wait_indirect_dma semaphore(%arg15 : memref<!tpu.dma_semaphore, #tpu.memory_space<semaphore_mem>>) src(%dma_wait3A_372 : memref<1015808xf32, #tpu.memory_space<vmem_shared>>) dst(%dma_wait3A_367 : memref<104xf32, #tpu.memory_space<vmem>>)
      %scan3A_373 = arith.constant 0 : i32
      %scan3A_374 = arith.constant 6 : i32
      %scan3A_375 = arith.addi %scan3A_373, %scan3A_374 : i32
      %scan3A_376 = arith.constant 1 : i32
      %scan3A_377:3 = scf.for %scan3A_601 = %scan3A_373 to %scan3A_375 step %scan3A_376 iter_args(%scan3A_602 = %broadcast_in_dim3A_6, %scan3A_603 = %broadcast_in_dim3A_6, %scan3A_604 = %broadcast_in_dim3A_6) -> (vector<16xf32>, vector<16xf32>, vector<16xf32>)  : i32 {
        %mul3A_605 = arith.constant 16 : i32
        %mul3A_606 = arith.muli %scan3A_601, %mul3A_605 : i32
        %get3A_607 = arith.constant 0 : i32
        %get3A_608 = arith.index_cast %add3A_350 : i32 to index
        %get3A_609 = arith.index_cast %get3A_607 : i32 to index
        %get3A_610 = arith.index_cast %mul3A_606 : i32 to index
        %get3A_611 = tpu.vector_load %arg8[%get3A_608, %get3A_609, %get3A_610] {strides = array<i32>} : memref<128x2x104xf32, #tpu.memory_space<vmem>>, vector<16xf32>,
        %get3A_612 = arith.constant 2 : i32
        %get3A_613 = arith.constant 0 : i32
        %get3A_614 = arith.index_cast %get3A_612 : i32 to index
        %get3A_615 = arith.index_cast %get3A_613 : i32 to index
        %get3A_616 = arith.index_cast %mul3A_606 : i32 to index
        %get3A_617 = tpu.vector_load %arg9[%get3A_614, %get3A_615, %get3A_616] {strides = array<i32>} : memref<4x2x104xf32, #tpu.memory_space<vmem>>, vector<16xf32>,
        %bitcast3A_618 = vector.bitcast %get3A_617 : vector<16xf32> to vector<32xbf16>
        %unpack3A_619 = tpu.unpack_subelements %bitcast3A_618, 0 {pack_format = #tpu.pack_format<interleaved>} : vector<32xbf16> -> vector<16xf32>
        %unpack3A_620 = tpu.unpack_subelements %bitcast3A_618, 1 {pack_format = #tpu.pack_format<interleaved>} : vector<32xbf16> -> vector<16xf32>
        %mul3A_621 = arith.mulf %unpack3A_619, %get3A_611 : vector<16xf32>
        %add3A_622 = arith.addf %scan3A_602, %mul3A_621 : vector<16xf32>
        %mul3A_623 = arith.mulf %unpack3A_620, %get3A_611 : vector<16xf32>
        %add3A_624 = arith.addf %scan3A_603, %mul3A_623 : vector<16xf32>
        %add3A_625 = arith.addf %scan3A_604, %get3A_611 : vector<16xf32>
        scf.yield %add3A_622, %add3A_624, %add3A_625 : vector<16xf32>, vector<16xf32>, vector<16xf32>
      }
      %scan3A_378 = arith.constant 6 : i32
      %ge3A_379 = arith.constant 8 : i32
      %ge3A_380 = vector.broadcast %ge3A_379 : i32 to vector<16xi32>
      %ge3A_381 = arith.cmpi sge, %iota3A, %ge3A_380 : vector<16xi32>
      %get3A_382 = arith.constant 0 : i32
      %get3A_383 = arith.index_cast %add3A_350 : i32 to index
      %get3A_384 = arith.index_cast %get3A_382 : i32 to index
      %get3A_385 = arith.constant 88 : index
      %get3A_386 = tpu.vector_load %arg8[%get3A_383, %get3A_384, %get3A_385] {strides = array<i32>} : memref<128x2x104xf32, #tpu.memory_space<vmem>>, vector<16xf32>,
      %jit3A_387 = arith.constant 0.000000e+00 : f32
      %broadcast_in_dim3A_388 = vector.broadcast %jit3A_387 : f32 to vector<16xf32>
      %select_n3A_389 = arith.select %ge3A_381, %get3A_386, %broadcast_in_dim3A_388 : vector<16xi1>, vector<16xf32>
      %get3A_390 = arith.constant 2 : i32
      %get3A_391 = arith.constant 0 : i32
      %get3A_392 = arith.index_cast %get3A_390 : i32 to index
      %get3A_393 = arith.index_cast %get3A_391 : i32 to index
      %get3A_394 = arith.constant 88 : index
      %get3A_395 = tpu.vector_load %arg9[%get3A_392, %get3A_393, %get3A_394] {strides = array<i32>} : memref<4x2x104xf32, #tpu.memory_space<vmem>>, vector<16xf32>,
      %bitcast3A_396 = vector.bitcast %get3A_395 : vector<16xf32> to vector<32xbf16>
      %unpack3A_397 = tpu.unpack_subelements %bitcast3A_396, 0 {pack_format = #tpu.pack_format<interleaved>} : vector<32xbf16> -> vector<16xf32>
      %unpack3A_398 = tpu.unpack_subelements %bitcast3A_396, 1 {pack_format = #tpu.pack_format<interleaved>} : vector<32xbf16> -> vector<16xf32>
      %mul3A_399 = arith.mulf %unpack3A_397, %select_n3A_389 : vector<16xf32>
      %add3A_400 = arith.addf %scan3A_377#0, %mul3A_399 : vector<16xf32>
      %mul3A_401 = arith.mulf %unpack3A_398, %select_n3A_389 : vector<16xf32>
      %add3A_402 = arith.addf %scan3A_377#1, %mul3A_401 : vector<16xf32>
      %add3A_403 = arith.addf %scan3A_377#2, %select_n3A_389 : vector<16xf32>
      %scan3A_404 = arith.constant 0 : i32
      %scan3A_405 = arith.constant 6 : i32
      %scan3A_406 = arith.addi %scan3A_404, %scan3A_405 : i32
      %scan3A_407 = arith.constant 1 : i32
      %scan3A_408:3 = scf.for %scan3A_601 = %scan3A_404 to %scan3A_406 step %scan3A_407 iter_args(%scan3A_602 = %add3A_400, %scan3A_603 = %add3A_402, %scan3A_604 = %add3A_403) -> (vector<16xf32>, vector<16xf32>, vector<16xf32>)  : i32 {
        %mul3A_605 = arith.constant 16 : i32
        %mul3A_606 = arith.muli %scan3A_601, %mul3A_605 : i32
        %get3A_607 = arith.constant 1 : i32
        %get3A_608 = arith.index_cast %add3A_350 : i32 to index
        %get3A_609 = arith.index_cast %get3A_607 : i32 to index
        %get3A_610 = arith.index_cast %mul3A_606 : i32 to index
        %get3A_611 = tpu.vector_load %arg8[%get3A_608, %get3A_609, %get3A_610] {strides = array<i32>} : memref<128x2x104xf32, #tpu.memory_space<vmem>>, vector<16xf32>,
        %get3A_612 = arith.constant 2 : i32
        %get3A_613 = arith.constant 1 : i32
        %get3A_614 = arith.index_cast %get3A_612 : i32 to index
        %get3A_615 = arith.index_cast %get3A_613 : i32 to index
        %get3A_616 = arith.index_cast %mul3A_606 : i32 to index
        %get3A_617 = tpu.vector_load %arg9[%get3A_614, %get3A_615, %get3A_616] {strides = array<i32>} : memref<4x2x104xf32, #tpu.memory_space<vmem>>, vector<16xf32>,
        %bitcast3A_618 = vector.bitcast %get3A_617 : vector<16xf32> to vector<32xbf16>
        %unpack3A_619 = tpu.unpack_subelements %bitcast3A_618, 0 {pack_format = #tpu.pack_format<interleaved>} : vector<32xbf16> -> vector<16xf32>
        %unpack3A_620 = tpu.unpack_subelements %bitcast3A_618, 1 {pack_format = #tpu.pack_format<interleaved>} : vector<32xbf16> -> vector<16xf32>
        %mul3A_621 = arith.mulf %unpack3A_619, %get3A_611 : vector<16xf32>
        %add3A_622 = arith.addf %scan3A_602, %mul3A_621 : vector<16xf32>
        %mul3A_623 = arith.mulf %unpack3A_620, %get3A_611 : vector<16xf32>
        %add3A_624 = arith.addf %scan3A_603, %mul3A_623 : vector<16xf32>
        %add3A_625 = arith.addf %scan3A_604, %get3A_611 : vector<16xf32>
        scf.yield %add3A_622, %add3A_624, %add3A_625 : vector<16xf32>, vector<16xf32>, vector<16xf32>
      }
      %scan3A_409 = arith.constant 6 : i32
      %ge3A_410 = arith.constant 8 : i32
      %ge3A_411 = vector.broadcast %ge3A_410 : i32 to vector<16xi32>
      %ge3A_412 = arith.cmpi sge, %iota3A, %ge3A_411 : vector<16xi32>
      %get3A_413 = arith.constant 1 : i32
      %get3A_414 = arith.index_cast %add3A_350 : i32 to index
      %get3A_415 = arith.index_cast %get3A_413 : i32 to index
      %get3A_416 = arith.constant 88 : index
      %get3A_417 = tpu.vector_load %arg8[%get3A_414, %get3A_415, %get3A_416] {strides = array<i32>} : memref<128x2x104xf32, #tpu.memory_space<vmem>>, vector<16xf32>,
      %jit3A_418 = arith.constant 0.000000e+00 : f32
      %broadcast_in_dim3A_419 = vector.broadcast %jit3A_418 : f32 to vector<16xf32>
      %select_n3A_420 = arith.select %ge3A_412, %get3A_417, %broadcast_in_dim3A_419 : vector<16xi1>, vector<16xf32>
      %get3A_421 = arith.constant 2 : i32
      %get3A_422 = arith.constant 1 : i32
      %get3A_423 = arith.index_cast %get3A_421 : i32 to index
      %get3A_424 = arith.index_cast %get3A_422 : i32 to index
      %get3A_425 = arith.constant 88 : index
      %get3A_426 = tpu.vector_load %arg9[%get3A_423, %get3A_424, %get3A_425] {strides = array<i32>} : memref<4x2x104xf32, #tpu.memory_space<vmem>>, vector<16xf32>,
      %bitcast3A_427 = vector.bitcast %get3A_426 : vector<16xf32> to vector<32xbf16>
      %unpack3A_428 = tpu.unpack_subelements %bitcast3A_427, 0 {pack_format = #tpu.pack_format<interleaved>} : vector<32xbf16> -> vector<16xf32>
      %unpack3A_429 = tpu.unpack_subelements %bitcast3A_427, 1 {pack_format = #tpu.pack_format<interleaved>} : vector<32xbf16> -> vector<16xf32>
      %mul3A_430 = arith.mulf %unpack3A_428, %select_n3A_420 : vector<16xf32>
      %add3A_431 = arith.addf %scan3A_408#0, %mul3A_430 : vector<16xf32>
      %mul3A_432 = arith.mulf %unpack3A_429, %select_n3A_420 : vector<16xf32>
      %add3A_433 = arith.addf %scan3A_408#1, %mul3A_432 : vector<16xf32>
      %add3A_434 = arith.addf %scan3A_408#2, %select_n3A_420 : vector<16xf32>
      %broadcast_in_dim3A_435 = arith.constant 1.000000e+00 : f32
      %broadcast_in_dim3A_436 = vector.broadcast %broadcast_in_dim3A_435 : f32 to vector<16xf32>
      %reduce_sum3A_437 = arith.constant true
      %reduce_sum3A_438 = vector.broadcast %reduce_sum3A_437 : i1 to vector<16xi1>
      %reduce_sum3A_439 = tpu.scan <sum>, %add3A_434 masked %reduce_sum3A_438 : vector<16xf32>, vector<16xi1> -> vector<16xf32>
      %reduce_sum3A_440 = vector.extract %reduce_sum3A_439[15] : f32 from vector<16xf32>
      %broadcast_in_dim3A_441 = vector.broadcast %reduce_sum3A_440 : f32 to vector<16xf32>
      %div3A_442 = arith.divf %broadcast_in_dim3A_436, %broadcast_in_dim3A_441 : vector<16xf32>
      %eq3A_443 = arith.constant 0 : i32
      %eq3A_444 = vector.broadcast %eq3A_443 : i32 to vector<16xi32>
      %eq3A_445 = arith.cmpi eq, %iota3A, %eq3A_444 : vector<16xi32>
      %reduce_sum3A_446 = arith.constant true
      %reduce_sum3A_447 = vector.broadcast %reduce_sum3A_446 : i1 to vector<16xi1>
      %reduce_sum3A_448 = tpu.scan <sum>, %add3A_431 masked %reduce_sum3A_447 : vector<16xf32>, vector<16xi1> -> vector<16xf32>
      %reduce_sum3A_449 = vector.extract %reduce_sum3A_448[15] : f32 from vector<16xf32>
      %eq3A_450 = arith.constant 1 : i32
      %eq3A_451 = vector.broadcast %eq3A_450 : i32 to vector<16xi32>
      %eq3A_452 = arith.cmpi eq, %iota3A, %eq3A_451 : vector<16xi32>
      %reduce_sum3A_453 = arith.constant true
      %reduce_sum3A_454 = vector.broadcast %reduce_sum3A_453 : i1 to vector<16xi1>
      %reduce_sum3A_455 = tpu.scan <sum>, %add3A_433 masked %reduce_sum3A_454 : vector<16xf32>, vector<16xi1> -> vector<16xf32>
      %reduce_sum3A_456 = vector.extract %reduce_sum3A_455[15] : f32 from vector<16xf32>
      %jit3A_457 = arith.constant 0.000000e+00 : f32
      %broadcast_in_dim3A_458 = vector.broadcast %reduce_sum3A_456 : f32 to vector<16xf32>
      %broadcast_in_dim3A_459 = vector.broadcast %jit3A_457 : f32 to vector<16xf32>
      %select_n3A_460 = arith.select %eq3A_452, %broadcast_in_dim3A_458, %broadcast_in_dim3A_459 : vector<16xi1>, vector<16xf32>
      %broadcast_in_dim3A_461 = vector.broadcast %reduce_sum3A_449 : f32 to vector<16xf32>
      %select_n3A_462 = arith.select %eq3A_445, %broadcast_in_dim3A_461, %select_n3A_460 : vector<16xi1>, vector<16xf32>
      %mul3A_463 = arith.mulf %select_n3A_462, %div3A_442 : vector<16xf32>
      %add3A_464 = arith.addf %mul3A_463, %get3A_5 : vector<16xf32>
      %swap3A_465 = arith.index_cast %add3A_350 : i32 to index
      %swap3A_466 = arith.constant 0 : index
      %swap3A_467 = tpu.vector_load %arg10[%swap3A_465, %swap3A_466] {strides = array<i32>} : memref<128x16xf32, #tpu.memory_space<vmem>>, vector<16xf32>,
      tpu.vector_store %arg10[%swap3A_465, %swap3A_466], %add3A_464 {strides = array<i32>} : memref<128x16xf32, #tpu.memory_space<vmem>>, vector<16xf32>,
      %add3A_468 = arith.constant 4 : i32
      %add3A_469 = arith.addi %add3A_350, %add3A_468 : i32
      %lt3A_470 = arith.constant 128 : i32
      %lt3A_471 = arith.cmpi slt, %add3A_469, %lt3A_470 : i32
      %convert_element_type3A_472 = arith.extui %lt3A_471 : i1 to i32
      %cond3A_473 = arith.constant 0 : i32
      %cond3A_474 = arith.cmpi ne, %convert_element_type3A_472, %cond3A_473 : i32
      scf.if %cond3A_474 {
        %dma_start3A_601 = arith.constant 0 : i32
        %dma_start3A_602 = arith.constant 2 : i32
        %dma_start3A_603 = arith.constant 0 : i32
        %dma_start3A_604 = arith.constant 0 : i32
        %dma_start3A_605 = tpu.memref_slice %arg9[%dma_start3A_602, %dma_start3A_603, %dma_start3A_604] : memref<4x2x104xf32, #tpu.memory_space<vmem>> -> memref<1x1x104xf32, #tpu.memory_space<vmem>>
        %dma_start3A_606 = tpu.memref_squeeze %dma_start3A_605 : memref<1x1x104xf32, #tpu.memory_space<vmem>> -> memref<104xf32, #tpu.memory_space<vmem>>
        %dma_start3A_607 = arith.constant 0 : i32
        %dma_start3A_608 = tpu.memref_slice %arg7[%add3A_469, %dma_start3A_601, %dma_start3A_607] : memref<128x2x104xi32, #tpu.memory_space<vmem>> -> memref<1x1x104xi32, #tpu.memory_space<vmem>>
        %dma_start3A_609 = tpu.memref_squeeze %dma_start3A_608 : memref<1x1x104xi32, #tpu.memory_space<vmem>> -> memref<104xi32, #tpu.memory_space<vmem>>
        %dma_start3A_610 = arith.constant 0 : i32
        %dma_start3A_611 = tpu.memref_slice %arg12[%dma_start3A_610] : memref<1015808xf32, #tpu.memory_space<vmem_shared>> -> memref<1015808xf32, #tpu.memory_space<vmem_shared>>
        tpu.enqueue_indirect_dma source(%dma_start3A_611 : memref<1015808xf32, #tpu.memory_space<vmem_shared>>) target(%dma_start3A_606 : memref<104xf32, #tpu.memory_space<vmem>>) offsets(%dma_start3A_609 : memref<104xi32, #tpu.memory_space<vmem>>) semaphore(%arg15 : memref<!tpu.dma_semaphore, #tpu.memory_space<semaphore_mem>>)
        %dma_start3A_612 = arith.constant 1 : i32
        %dma_start3A_613 = arith.constant 2 : i32
        %dma_start3A_614 = arith.constant 1 : i32
        %dma_start3A_615 = arith.constant 0 : i32
        %dma_start3A_616 = tpu.memref_slice %arg9[%dma_start3A_613, %dma_start3A_614, %dma_start3A_615] : memref<4x2x104xf32, #tpu.memory_space<vmem>> -> memref<1x1x104xf32, #tpu.memory_space<vmem>>
        %dma_start3A_617 = tpu.memref_squeeze %dma_start3A_616 : memref<1x1x104xf32, #tpu.memory_space<vmem>> -> memref<104xf32, #tpu.memory_space<vmem>>
        %dma_start3A_618 = arith.constant 0 : i32
        %dma_start3A_619 = tpu.memref_slice %arg7[%add3A_469, %dma_start3A_612, %dma_start3A_618] : memref<128x2x104xi32, #tpu.memory_space<vmem>> -> memref<1x1x104xi32, #tpu.memory_space<vmem>>
        %dma_start3A_620 = tpu.memref_squeeze %dma_start3A_619 : memref<1x1x104xi32, #tpu.memory_space<vmem>> -> memref<104xi32, #tpu.memory_space<vmem>>
        %dma_start3A_621 = arith.constant 0 : i32
        %dma_start3A_622 = tpu.memref_slice %arg12[%dma_start3A_621] : memref<1015808xf32, #tpu.memory_space<vmem_shared>> -> memref<1015808xf32, #tpu.memory_space<vmem_shared>>
        tpu.enqueue_indirect_dma source(%dma_start3A_622 : memref<1015808xf32, #tpu.memory_space<vmem_shared>>) target(%dma_start3A_617 : memref<104xf32, #tpu.memory_space<vmem>>) offsets(%dma_start3A_620 : memref<104xi32, #tpu.memory_space<vmem>>) semaphore(%arg15 : memref<!tpu.dma_semaphore, #tpu.memory_space<semaphore_mem>>)
      } else {
      }
      %add3A_475 = arith.constant 3 : i32
      %add3A_476 = arith.addi %mul3A_109, %add3A_475 : i32
      %dma_wait3A_477 = arith.constant 0 : i32
      %dma_wait3A_478 = arith.constant 3 : i32
      %dma_wait3A_479 = arith.constant 0 : i32
      %dma_wait3A_480 = arith.constant 0 : i32
      %dma_wait3A_481 = tpu.memref_slice %arg9[%dma_wait3A_478, %dma_wait3A_479, %dma_wait3A_480] : memref<4x2x104xf32, #tpu.memory_space<vmem>> -> memref<1x1x104xf32, #tpu.memory_space<vmem>>
      %dma_wait3A_482 = tpu.memref_squeeze %dma_wait3A_481 : memref<1x1x104xf32, #tpu.memory_space<vmem>> -> memref<104xf32, #tpu.memory_space<vmem>>
      %dma_wait3A_483 = arith.constant 0 : i32
      %dma_wait3A_484 = tpu.memref_slice %arg7[%add3A_476, %dma_wait3A_477, %dma_wait3A_483] : memref<128x2x104xi32, #tpu.memory_space<vmem>> -> memref<1x1x104xi32, #tpu.memory_space<vmem>>
      %dma_wait3A_485 = tpu.memref_squeeze %dma_wait3A_484 : memref<1x1x104xi32, #tpu.memory_space<vmem>> -> memref<104xi32, #tpu.memory_space<vmem>>
      %dma_wait3A_486 = arith.constant 0 : i32
      %dma_wait3A_487 = tpu.memref_slice %arg12[%dma_wait3A_486] : memref<1015808xf32, #tpu.memory_space<vmem_shared>> -> memref<1015808xf32, #tpu.memory_space<vmem_shared>>
      tpu.wait_indirect_dma semaphore(%arg16 : memref<!tpu.dma_semaphore, #tpu.memory_space<semaphore_mem>>) src(%dma_wait3A_487 : memref<1015808xf32, #tpu.memory_space<vmem_shared>>) dst(%dma_wait3A_482 : memref<104xf32, #tpu.memory_space<vmem>>)
      %dma_wait3A_488 = arith.constant 1 : i32
      %dma_wait3A_489 = arith.constant 3 : i32
      %dma_wait3A_490 = arith.constant 1 : i32
      %dma_wait3A_491 = arith.constant 0 : i32
      %dma_wait3A_492 = tpu.memref_slice %arg9[%dma_wait3A_489, %dma_wait3A_490, %dma_wait3A_491] : memref<4x2x104xf32, #tpu.memory_space<vmem>> -> memref<1x1x104xf32, #tpu.memory_space<vmem>>
      %dma_wait3A_493 = tpu.memref_squeeze %dma_wait3A_492 : memref<1x1x104xf32, #tpu.memory_space<vmem>> -> memref<104xf32, #tpu.memory_space<vmem>>
      %dma_wait3A_494 = arith.constant 0 : i32
      %dma_wait3A_495 = tpu.memref_slice %arg7[%add3A_476, %dma_wait3A_488, %dma_wait3A_494] : memref<128x2x104xi32, #tpu.memory_space<vmem>> -> memref<1x1x104xi32, #tpu.memory_space<vmem>>
      %dma_wait3A_496 = tpu.memref_squeeze %dma_wait3A_495 : memref<1x1x104xi32, #tpu.memory_space<vmem>> -> memref<104xi32, #tpu.memory_space<vmem>>
      %dma_wait3A_497 = arith.constant 0 : i32
      %dma_wait3A_498 = tpu.memref_slice %arg12[%dma_wait3A_497] : memref<1015808xf32, #tpu.memory_space<vmem_shared>> -> memref<1015808xf32, #tpu.memory_space<vmem_shared>>
      tpu.wait_indirect_dma semaphore(%arg16 : memref<!tpu.dma_semaphore, #tpu.memory_space<semaphore_mem>>) src(%dma_wait3A_498 : memref<1015808xf32, #tpu.memory_space<vmem_shared>>) dst(%dma_wait3A_493 : memref<104xf32, #tpu.memory_space<vmem>>)
      %scan3A_499 = arith.constant 0 : i32
      %scan3A_500 = arith.constant 6 : i32
      %scan3A_501 = arith.addi %scan3A_499, %scan3A_500 : i32
      %scan3A_502 = arith.constant 1 : i32
      %scan3A_503:3 = scf.for %scan3A_601 = %scan3A_499 to %scan3A_501 step %scan3A_502 iter_args(%scan3A_602 = %broadcast_in_dim3A_6, %scan3A_603 = %broadcast_in_dim3A_6, %scan3A_604 = %broadcast_in_dim3A_6) -> (vector<16xf32>, vector<16xf32>, vector<16xf32>)  : i32 {
        %mul3A_605 = arith.constant 16 : i32
        %mul3A_606 = arith.muli %scan3A_601, %mul3A_605 : i32
        %get3A_607 = arith.constant 0 : i32
        %get3A_608 = arith.index_cast %add3A_476 : i32 to index
        %get3A_609 = arith.index_cast %get3A_607 : i32 to index
        %get3A_610 = arith.index_cast %mul3A_606 : i32 to index
        %get3A_611 = tpu.vector_load %arg8[%get3A_608, %get3A_609, %get3A_610] {strides = array<i32>} : memref<128x2x104xf32, #tpu.memory_space<vmem>>, vector<16xf32>,
        %get3A_612 = arith.constant 3 : i32
        %get3A_613 = arith.constant 0 : i32
        %get3A_614 = arith.index_cast %get3A_612 : i32 to index
        %get3A_615 = arith.index_cast %get3A_613 : i32 to index
        %get3A_616 = arith.index_cast %mul3A_606 : i32 to index
        %get3A_617 = tpu.vector_load %arg9[%get3A_614, %get3A_615, %get3A_616] {strides = array<i32>} : memref<4x2x104xf32, #tpu.memory_space<vmem>>, vector<16xf32>,
        %bitcast3A_618 = vector.bitcast %get3A_617 : vector<16xf32> to vector<32xbf16>
        %unpack3A_619 = tpu.unpack_subelements %bitcast3A_618, 0 {pack_format = #tpu.pack_format<interleaved>} : vector<32xbf16> -> vector<16xf32>
        %unpack3A_620 = tpu.unpack_subelements %bitcast3A_618, 1 {pack_format = #tpu.pack_format<interleaved>} : vector<32xbf16> -> vector<16xf32>
        %mul3A_621 = arith.mulf %unpack3A_619, %get3A_611 : vector<16xf32>
        %add3A_622 = arith.addf %scan3A_602, %mul3A_621 : vector<16xf32>
        %mul3A_623 = arith.mulf %unpack3A_620, %get3A_611 : vector<16xf32>
        %add3A_624 = arith.addf %scan3A_603, %mul3A_623 : vector<16xf32>
        %add3A_625 = arith.addf %scan3A_604, %get3A_611 : vector<16xf32>
        scf.yield %add3A_622, %add3A_624, %add3A_625 : vector<16xf32>, vector<16xf32>, vector<16xf32>
      }
      %scan3A_504 = arith.constant 6 : i32
      %ge3A_505 = arith.constant 8 : i32
      %ge3A_506 = vector.broadcast %ge3A_505 : i32 to vector<16xi32>
      %ge3A_507 = arith.cmpi sge, %iota3A, %ge3A_506 : vector<16xi32>
      %get3A_508 = arith.constant 0 : i32
      %get3A_509 = arith.index_cast %add3A_476 : i32 to index
      %get3A_510 = arith.index_cast %get3A_508 : i32 to index
      %get3A_511 = arith.constant 88 : index
      %get3A_512 = tpu.vector_load %arg8[%get3A_509, %get3A_510, %get3A_511] {strides = array<i32>} : memref<128x2x104xf32, #tpu.memory_space<vmem>>, vector<16xf32>,
      %jit3A_513 = arith.constant 0.000000e+00 : f32
      %broadcast_in_dim3A_514 = vector.broadcast %jit3A_513 : f32 to vector<16xf32>
      %select_n3A_515 = arith.select %ge3A_507, %get3A_512, %broadcast_in_dim3A_514 : vector<16xi1>, vector<16xf32>
      %get3A_516 = arith.constant 3 : i32
      %get3A_517 = arith.constant 0 : i32
      %get3A_518 = arith.index_cast %get3A_516 : i32 to index
      %get3A_519 = arith.index_cast %get3A_517 : i32 to index
      %get3A_520 = arith.constant 88 : index
      %get3A_521 = tpu.vector_load %arg9[%get3A_518, %get3A_519, %get3A_520] {strides = array<i32>} : memref<4x2x104xf32, #tpu.memory_space<vmem>>, vector<16xf32>,
      %bitcast3A_522 = vector.bitcast %get3A_521 : vector<16xf32> to vector<32xbf16>
      %unpack3A_523 = tpu.unpack_subelements %bitcast3A_522, 0 {pack_format = #tpu.pack_format<interleaved>} : vector<32xbf16> -> vector<16xf32>
      %unpack3A_524 = tpu.unpack_subelements %bitcast3A_522, 1 {pack_format = #tpu.pack_format<interleaved>} : vector<32xbf16> -> vector<16xf32>
      %mul3A_525 = arith.mulf %unpack3A_523, %select_n3A_515 : vector<16xf32>
      %add3A_526 = arith.addf %scan3A_503#0, %mul3A_525 : vector<16xf32>
      %mul3A_527 = arith.mulf %unpack3A_524, %select_n3A_515 : vector<16xf32>
      %add3A_528 = arith.addf %scan3A_503#1, %mul3A_527 : vector<16xf32>
      %add3A_529 = arith.addf %scan3A_503#2, %select_n3A_515 : vector<16xf32>
      %scan3A_530 = arith.constant 0 : i32
      %scan3A_531 = arith.constant 6 : i32
      %scan3A_532 = arith.addi %scan3A_530, %scan3A_531 : i32
      %scan3A_533 = arith.constant 1 : i32
      %scan3A_534:3 = scf.for %scan3A_601 = %scan3A_530 to %scan3A_532 step %scan3A_533 iter_args(%scan3A_602 = %add3A_526, %scan3A_603 = %add3A_528, %scan3A_604 = %add3A_529) -> (vector<16xf32>, vector<16xf32>, vector<16xf32>)  : i32 {
        %mul3A_605 = arith.constant 16 : i32
        %mul3A_606 = arith.muli %scan3A_601, %mul3A_605 : i32
        %get3A_607 = arith.constant 1 : i32
        %get3A_608 = arith.index_cast %add3A_476 : i32 to index
        %get3A_609 = arith.index_cast %get3A_607 : i32 to index
        %get3A_610 = arith.index_cast %mul3A_606 : i32 to index
        %get3A_611 = tpu.vector_load %arg8[%get3A_608, %get3A_609, %get3A_610] {strides = array<i32>} : memref<128x2x104xf32, #tpu.memory_space<vmem>>, vector<16xf32>,
        %get3A_612 = arith.constant 3 : i32
        %get3A_613 = arith.constant 1 : i32
        %get3A_614 = arith.index_cast %get3A_612 : i32 to index
        %get3A_615 = arith.index_cast %get3A_613 : i32 to index
        %get3A_616 = arith.index_cast %mul3A_606 : i32 to index
        %get3A_617 = tpu.vector_load %arg9[%get3A_614, %get3A_615, %get3A_616] {strides = array<i32>} : memref<4x2x104xf32, #tpu.memory_space<vmem>>, vector<16xf32>,
        %bitcast3A_618 = vector.bitcast %get3A_617 : vector<16xf32> to vector<32xbf16>
        %unpack3A_619 = tpu.unpack_subelements %bitcast3A_618, 0 {pack_format = #tpu.pack_format<interleaved>} : vector<32xbf16> -> vector<16xf32>
        %unpack3A_620 = tpu.unpack_subelements %bitcast3A_618, 1 {pack_format = #tpu.pack_format<interleaved>} : vector<32xbf16> -> vector<16xf32>
        %mul3A_621 = arith.mulf %unpack3A_619, %get3A_611 : vector<16xf32>
        %add3A_622 = arith.addf %scan3A_602, %mul3A_621 : vector<16xf32>
        %mul3A_623 = arith.mulf %unpack3A_620, %get3A_611 : vector<16xf32>
        %add3A_624 = arith.addf %scan3A_603, %mul3A_623 : vector<16xf32>
        %add3A_625 = arith.addf %scan3A_604, %get3A_611 : vector<16xf32>
        scf.yield %add3A_622, %add3A_624, %add3A_625 : vector<16xf32>, vector<16xf32>, vector<16xf32>
      }
      %scan3A_535 = arith.constant 6 : i32
      %ge3A_536 = arith.constant 8 : i32
      %ge3A_537 = vector.broadcast %ge3A_536 : i32 to vector<16xi32>
      %ge3A_538 = arith.cmpi sge, %iota3A, %ge3A_537 : vector<16xi32>
      %get3A_539 = arith.constant 1 : i32
      %get3A_540 = arith.index_cast %add3A_476 : i32 to index
      %get3A_541 = arith.index_cast %get3A_539 : i32 to index
      %get3A_542 = arith.constant 88 : index
      %get3A_543 = tpu.vector_load %arg8[%get3A_540, %get3A_541, %get3A_542] {strides = array<i32>} : memref<128x2x104xf32, #tpu.memory_space<vmem>>, vector<16xf32>,
      %jit3A_544 = arith.constant 0.000000e+00 : f32
      %broadcast_in_dim3A_545 = vector.broadcast %jit3A_544 : f32 to vector<16xf32>
      %select_n3A_546 = arith.select %ge3A_538, %get3A_543, %broadcast_in_dim3A_545 : vector<16xi1>, vector<16xf32>
      %get3A_547 = arith.constant 3 : i32
      %get3A_548 = arith.constant 1 : i32
      %get3A_549 = arith.index_cast %get3A_547 : i32 to index
      %get3A_550 = arith.index_cast %get3A_548 : i32 to index
      %get3A_551 = arith.constant 88 : index
      %get3A_552 = tpu.vector_load %arg9[%get3A_549, %get3A_550, %get3A_551] {strides = array<i32>} : memref<4x2x104xf32, #tpu.memory_space<vmem>>, vector<16xf32>,
      %bitcast3A_553 = vector.bitcast %get3A_552 : vector<16xf32> to vector<32xbf16>
      %unpack3A_554 = tpu.unpack_subelements %bitcast3A_553, 0 {pack_format = #tpu.pack_format<interleaved>} : vector<32xbf16> -> vector<16xf32>
      %unpack3A_555 = tpu.unpack_subelements %bitcast3A_553, 1 {pack_format = #tpu.pack_format<interleaved>} : vector<32xbf16> -> vector<16xf32>
      %mul3A_556 = arith.mulf %unpack3A_554, %select_n3A_546 : vector<16xf32>
      %add3A_557 = arith.addf %scan3A_534#0, %mul3A_556 : vector<16xf32>
      %mul3A_558 = arith.mulf %unpack3A_555, %select_n3A_546 : vector<16xf32>
      %add3A_559 = arith.addf %scan3A_534#1, %mul3A_558 : vector<16xf32>
      %add3A_560 = arith.addf %scan3A_534#2, %select_n3A_546 : vector<16xf32>
      %broadcast_in_dim3A_561 = arith.constant 1.000000e+00 : f32
      %broadcast_in_dim3A_562 = vector.broadcast %broadcast_in_dim3A_561 : f32 to vector<16xf32>
      %reduce_sum3A_563 = arith.constant true
      %reduce_sum3A_564 = vector.broadcast %reduce_sum3A_563 : i1 to vector<16xi1>
      %reduce_sum3A_565 = tpu.scan <sum>, %add3A_560 masked %reduce_sum3A_564 : vector<16xf32>, vector<16xi1> -> vector<16xf32>
      %reduce_sum3A_566 = vector.extract %reduce_sum3A_565[15] : f32 from vector<16xf32>
      %broadcast_in_dim3A_567 = vector.broadcast %reduce_sum3A_566 : f32 to vector<16xf32>
      %div3A_568 = arith.divf %broadcast_in_dim3A_562, %broadcast_in_dim3A_567 : vector<16xf32>
      %eq3A_569 = arith.constant 0 : i32
      %eq3A_570 = vector.broadcast %eq3A_569 : i32 to vector<16xi32>
      %eq3A_571 = arith.cmpi eq, %iota3A, %eq3A_570 : vector<16xi32>
      %reduce_sum3A_572 = arith.constant true
      %reduce_sum3A_573 = vector.broadcast %reduce_sum3A_572 : i1 to vector<16xi1>
      %reduce_sum3A_574 = tpu.scan <sum>, %add3A_557 masked %reduce_sum3A_573 : vector<16xf32>, vector<16xi1> -> vector<16xf32>
      %reduce_sum3A_575 = vector.extract %reduce_sum3A_574[15] : f32 from vector<16xf32>
      %eq3A_576 = arith.constant 1 : i32
      %eq3A_577 = vector.broadcast %eq3A_576 : i32 to vector<16xi32>
      %eq3A_578 = arith.cmpi eq, %iota3A, %eq3A_577 : vector<16xi32>
      %reduce_sum3A_579 = arith.constant true
      %reduce_sum3A_580 = vector.broadcast %reduce_sum3A_579 : i1 to vector<16xi1>
      %reduce_sum3A_581 = tpu.scan <sum>, %add3A_559 masked %reduce_sum3A_580 : vector<16xf32>, vector<16xi1> -> vector<16xf32>
      %reduce_sum3A_582 = vector.extract %reduce_sum3A_581[15] : f32 from vector<16xf32>
      %jit3A_583 = arith.constant 0.000000e+00 : f32
      %broadcast_in_dim3A_584 = vector.broadcast %reduce_sum3A_582 : f32 to vector<16xf32>
      %broadcast_in_dim3A_585 = vector.broadcast %jit3A_583 : f32 to vector<16xf32>
      %select_n3A_586 = arith.select %eq3A_578, %broadcast_in_dim3A_584, %broadcast_in_dim3A_585 : vector<16xi1>, vector<16xf32>
      %broadcast_in_dim3A_587 = vector.broadcast %reduce_sum3A_575 : f32 to vector<16xf32>
      %select_n3A_588 = arith.select %eq3A_571, %broadcast_in_dim3A_587, %select_n3A_586 : vector<16xi1>, vector<16xf32>
      %mul3A_589 = arith.mulf %select_n3A_588, %div3A_568 : vector<16xf32>
      %add3A_590 = arith.addf %mul3A_589, %get3A_5 : vector<16xf32>
      %swap3A_591 = arith.index_cast %add3A_476 : i32 to index
      %swap3A_592 = arith.constant 0 : index
      %swap3A_593 = tpu.vector_load %arg10[%swap3A_591, %swap3A_592] {strides = array<i32>} : memref<128x16xf32, #tpu.memory_space<vmem>>, vector<16xf32>,
      tpu.vector_store %arg10[%swap3A_591, %swap3A_592], %add3A_590 {strides = array<i32>} : memref<128x16xf32, #tpu.memory_space<vmem>>, vector<16xf32>,
      %add3A_594 = arith.constant 4 : i32
      %add3A_595 = arith.addi %add3A_476, %add3A_594 : i32
      %lt3A_596 = arith.constant 128 : i32
      %lt3A_597 = arith.cmpi slt, %add3A_595, %lt3A_596 : i32
      %convert_element_type3A_598 = arith.extui %lt3A_597 : i1 to i32
      %cond3A_599 = arith.constant 0 : i32
      %cond3A_600 = arith.cmpi ne, %convert_element_type3A_598, %cond3A_599 : i32
      scf.if %cond3A_600 {
        %dma_start3A_601 = arith.constant 0 : i32
        %dma_start3A_602 = arith.constant 3 : i32
        %dma_start3A_603 = arith.constant 0 : i32
        %dma_start3A_604 = arith.constant 0 : i32
        %dma_start3A_605 = tpu.memref_slice %arg9[%dma_start3A_602, %dma_start3A_603, %dma_start3A_604] : memref<4x2x104xf32, #tpu.memory_space<vmem>> -> memref<1x1x104xf32, #tpu.memory_space<vmem>>
        %dma_start3A_606 = tpu.memref_squeeze %dma_start3A_605 : memref<1x1x104xf32, #tpu.memory_space<vmem>> -> memref<104xf32, #tpu.memory_space<vmem>>
        %dma_start3A_607 = arith.constant 0 : i32
        %dma_start3A_608 = tpu.memref_slice %arg7[%add3A_595, %dma_start3A_601, %dma_start3A_607] : memref<128x2x104xi32, #tpu.memory_space<vmem>> -> memref<1x1x104xi32, #tpu.memory_space<vmem>>
        %dma_start3A_609 = tpu.memref_squeeze %dma_start3A_608 : memref<1x1x104xi32, #tpu.memory_space<vmem>> -> memref<104xi32, #tpu.memory_space<vmem>>
        %dma_start3A_610 = arith.constant 0 : i32
        %dma_start3A_611 = tpu.memref_slice %arg12[%dma_start3A_610] : memref<1015808xf32, #tpu.memory_space<vmem_shared>> -> memref<1015808xf32, #tpu.memory_space<vmem_shared>>
        tpu.enqueue_indirect_dma source(%dma_start3A_611 : memref<1015808xf32, #tpu.memory_space<vmem_shared>>) target(%dma_start3A_606 : memref<104xf32, #tpu.memory_space<vmem>>) offsets(%dma_start3A_609 : memref<104xi32, #tpu.memory_space<vmem>>) semaphore(%arg16 : memref<!tpu.dma_semaphore, #tpu.memory_space<semaphore_mem>>)
        %dma_start3A_612 = arith.constant 1 : i32
        %dma_start3A_613 = arith.constant 3 : i32
        %dma_start3A_614 = arith.constant 1 : i32
        %dma_start3A_615 = arith.constant 0 : i32
        %dma_start3A_616 = tpu.memref_slice %arg9[%dma_start3A_613, %dma_start3A_614, %dma_start3A_615] : memref<4x2x104xf32, #tpu.memory_space<vmem>> -> memref<1x1x104xf32, #tpu.memory_space<vmem>>
        %dma_start3A_617 = tpu.memref_squeeze %dma_start3A_616 : memref<1x1x104xf32, #tpu.memory_space<vmem>> -> memref<104xf32, #tpu.memory_space<vmem>>
        %dma_start3A_618 = arith.constant 0 : i32
        %dma_start3A_619 = tpu.memref_slice %arg7[%add3A_595, %dma_start3A_612, %dma_start3A_618] : memref<128x2x104xi32, #tpu.memory_space<vmem>> -> memref<1x1x104xi32, #tpu.memory_space<vmem>>
        %dma_start3A_620 = tpu.memref_squeeze %dma_start3A_619 : memref<1x1x104xi32, #tpu.memory_space<vmem>> -> memref<104xi32, #tpu.memory_space<vmem>>
        %dma_start3A_621 = arith.constant 0 : i32
        %dma_start3A_622 = tpu.memref_slice %arg12[%dma_start3A_621] : memref<1015808xf32, #tpu.memory_space<vmem_shared>> -> memref<1015808xf32, #tpu.memory_space<vmem_shared>>
        tpu.enqueue_indirect_dma source(%dma_start3A_622 : memref<1015808xf32, #tpu.memory_space<vmem_shared>>) target(%dma_start3A_617 : memref<104xf32, #tpu.memory_space<vmem>>) offsets(%dma_start3A_620 : memref<104xi32, #tpu.memory_space<vmem>>) semaphore(%arg16 : memref<!tpu.dma_semaphore, #tpu.memory_space<semaphore_mem>>)
      } else {
      }
    }
    %scan3A_106 = arith.constant 32 : i32
    "tpu.region"() ({
      %run_scoped3A = tpu.sem_alloc : memref<!tpu.dma_semaphore, #tpu.memory_space<semaphore_mem>>
      %dma_start3A_107 = arith.constant 0 : i32
      %dma_start3A_108 = tpu.memref_slice %arg6[%mul3A_2, %dma_start3A_107] : memref<4096x16xf32, #tpu.memory_space<hbm>> -> memref<128x16xf32, #tpu.memory_space<hbm>>
      %dma_start3A_109 = arith.constant 0 : i32
      %dma_start3A_110 = tpu.memref_slice %arg6[%mul3A_2, %dma_start3A_109] : memref<4096x16xf32, #tpu.memory_space<hbm>> -> memref<128x16xf32, #tpu.memory_space<hbm>>
      tpu.enqueue_dma source(%arg10 : memref<128x16xf32, #tpu.memory_space<vmem>>) target(%dma_start3A_110 : memref<128x16xf32, #tpu.memory_space<hbm>>) target_semaphore(%run_scoped3A : memref<!tpu.dma_semaphore, #tpu.memory_space<semaphore_mem>>)
      %dma_wait3A = arith.constant 0 : i32
      %dma_wait3A_111 = tpu.memref_slice %arg6[%mul3A_2, %dma_wait3A] : memref<4096x16xf32, #tpu.memory_space<hbm>> -> memref<128x16xf32, #tpu.memory_space<hbm>>
      %dma_wait3A_112 = arith.constant 0 : i32
      %dma_wait3A_113 = tpu.memref_slice %arg6[%mul3A_2, %dma_wait3A_112] : memref<4096x16xf32, #tpu.memory_space<hbm>> -> memref<128x16xf32, #tpu.memory_space<hbm>>
      tpu.wait_dma2 semaphore(%run_scoped3A : memref<!tpu.dma_semaphore, #tpu.memory_space<semaphore_mem>>) src(%arg10 : memref<128x16xf32, #tpu.memory_space<vmem>>) dst(%dma_wait3A_113 : memref<128x16xf32, #tpu.memory_space<hbm>>)
      tpu.yield
    }) : () -> ()
    return
  }
}

module attributes {stable_mosaic.version = 14 : i64} {
  func.func @_project_body(%arg0: i32, %arg1: memref<32x8xf32, #tpu.memory_space<vmem>>, %arg2: memref<32x16384xf32, #tpu.memory_space<vmem>>, %arg3: memref<8x16384xf32, #tpu.memory_space<vmem>>) attributes {dimension_semantics = [#tpu.dimension_semantics<arbitrary>], iteration_bounds = array<i64: 62>, scalar_prefetch = 0 : i64, scratch_operands = 0 : i64, tpu.core_type = #tpu.core_type<tc>, window_params = [{pipeline_mode = #tpu.pipeline_mode<synchronous>, transform_indices = @transform_0, window_bounds = array<i64: 32, 8>}, {transform_indices = @transform_1, window_bounds = array<i64: 32, 16384>}, {transform_indices = @transform_2, window_bounds = array<i64: 8, 16384>}]} {
    %get3A = arith.constant 0 : index
    %get3A_0 = arith.constant 0 : index
    %get3A_1 = vector.load %arg1[%get3A, %get3A_0] : memref<32x8xf32, #tpu.memory_space<vmem>>, vector<32x8xf32>
    %get3A_2 = arith.constant 0 : index
    %get3A_3 = arith.constant 0 : index
    %get3A_4 = vector.load %arg2[%get3A_2, %get3A_3] : memref<32x16384xf32, #tpu.memory_space<vmem>>, vector<32x16384xf32>
    %dot_general3A = arith.constant dense<0.000000e+00> : vector<8x16384xf32>
    %dot_general3A_5 = tpu.matmul %get3A_1, %get3A_4, %dot_general3A {dimension_numbers = #tpu.dot_dimension_numbers<[0], [0], [1], [1], [0, 1, 1, 1], [], []>, transpose_lhs_hint = false} : vector<32x8xf32>, vector<32x16384xf32>, vector<8x16384xf32> -> vector<8x16384xf32>
    %slice3A = vector.extract_strided_slice %dot_general3A_5 {offsets = [0, 0], sizes = [1, 16384], strides = [1, 1]} : vector<8x16384xf32> to vector<1x16384xf32>
    %convert_element_type3A = arith.truncf %slice3A : vector<1x16384xf32> to vector<1x16384xbf16>
    %bitcast_convert_type3A = tpu.bitcast %convert_element_type3A : vector<1x16384xbf16> -> vector<1x16384xi16>
    %convert_element_type3A_6 = arith.extui %bitcast_convert_type3A : vector<1x16384xi16> to vector<1x16384xi32>
    %slice3A_7 = vector.extract_strided_slice %dot_general3A_5 {offsets = [1, 0], sizes = [1, 16384], strides = [1, 1]} : vector<8x16384xf32> to vector<1x16384xf32>
    %convert_element_type3A_8 = arith.truncf %slice3A_7 : vector<1x16384xf32> to vector<1x16384xbf16>
    %bitcast_convert_type3A_9 = tpu.bitcast %convert_element_type3A_8 : vector<1x16384xbf16> -> vector<1x16384xi16>
    %convert_element_type3A_10 = arith.extui %bitcast_convert_type3A_9 : vector<1x16384xi16> to vector<1x16384xi32>
    %shift_left3A = arith.constant 16 : i32
    %shift_left3A_11 = vector.broadcast %shift_left3A : i32 to vector<1x16384xi32>
    %shift_left3A_12 = arith.shli %convert_element_type3A_10, %shift_left3A_11 : vector<1x16384xi32>
    %or3A = arith.ori %convert_element_type3A_6, %shift_left3A_12 : vector<1x16384xi32>
    %bitcast_convert_type3A_13 = tpu.bitcast %or3A : vector<1x16384xi32> -> vector<1x16384xf32>
    %broadcast_in_dim3A = arith.constant 0.000000e+00 : f32
    %broadcast_in_dim3A_14 = vector.broadcast %broadcast_in_dim3A : f32 to vector<7x16384xf32>
    %concatenate3A = tpu.concatenate %bitcast_convert_type3A_13, %broadcast_in_dim3A_14 in 0 : vector<1x16384xf32>, vector<7x16384xf32> -> vector<8x16384xf32>
    %swap3A = arith.constant 0 : index
    %swap3A_15 = arith.constant 0 : index
    %swap3A_16 = vector.load %arg3[%swap3A, %swap3A_15] : memref<8x16384xf32, #tpu.memory_space<vmem>>, vector<8x16384xf32>
    tpu.vector_store %arg3[%swap3A, %swap3A_15], %concatenate3A {strides = array<i32>} : memref<8x16384xf32, #tpu.memory_space<vmem>>, vector<8x16384xf32>,
    return
  }
  func.func @transform_0(%arg0: i32) -> (i32, i32) {
    %c0_i32 = arith.constant 0 : i32
    %c0_i32_0 = arith.constant 0 : i32
    %c0_i32_1 = arith.constant 0 : i32
    return %c0_i32, %c0_i32_0 : i32, i32
  }
  func.func @transform_1(%arg0: i32) -> (i32, i32) {
    %c0_i32 = arith.constant 0 : i32
    %c0_i32_0 = arith.constant 0 : i32
    return %c0_i32, %arg0 : i32, i32
  }
  func.func @transform_2(%arg0: i32) -> (i32, i32) {
    %c0_i32 = arith.constant 0 : i32
    %c0_i32_0 = arith.constant 0 : i32
    return %c0_i32, %arg0 : i32, i32
  }
}

</mosaic_0001>

<sc_bundles>
// kernel: kernel.4.cloned.1.call-start
scs
__scs_entry_jumppad:
0x0: {  	(pc) =	sbr.rel $0x88, $3  }
0x1: {  	(tag) =	ssettag $0x0;
	lr =	simm.s32 $0x1  }
0x2: {  	[smem:$0x3F9C] =	sst lr;
	_ =	strace $0xD0000000  }
0x3: {  	_ = 	snop  }
0x4: {  	_ = 	snop  }
0x5: {  	_ = 	snop  }
0x6: {  	_ = 	snop  }
0x7: {  	_ = 	snop  }
__scs_overlays_trampoline_lowered:
0x8: {  	[smem:$0x3FAB] =	sst s0  }
0x9: {  	[smem:$0x3FAC] =	sst s1  }
0xa: {  	[smem:$0x3FAD] =	sst s2  }
0xb: {  	[smem:$0x3FAE] =	sst s3  }
0xc: {  	[smem:$0x3FAF] =	sst s4  }
0xd: {  	[smem:$0x3FB0] =	sst s5  }
0xe: {  	[smem:$0x3FB1] =	sst s6  }
0xf: {  	[smem:$0x3FB2] =	sst s7  }
0x10: {  	[smem:$0x3FB3] =	sst s8  }
0x11: {  	[smem:$0x3FB4] =	sst s9;
	s0 =	simm.s32 @!p0 $0x0  }
0x12: {  	s1 =	sld [smem:$0x3F9A];
	s0 =	simm.s32 @p0 $0x1  }
0x13: {  	[smem:$0x3FB5] =	sst s0;
	s0 =	simm.s32 @!p1 $0x0  }
0x14: {  	s2 =	sld [smem:$0x3F99];
	s0 =	simm.s32 @p1 $0x1  }
0x15: {  	[smem:$0x3FB6] =	sst s0;
	s0 =	simm.s32 @!p2 $0x0  }
0x16: {  	s3 =	sld [smem:$0x3FDB];
	s0 =	simm.s32 @p2 $0x1  }
0x17: {  	s4 =	simm.s32 $0x1BF5;
	[smem:$0x3FB8] =	sst s0  }
0x18: {  	s0 =	sld [smem:$0x3F9B];
	_ =	swait.ge [sflag:s4], $0x0  }
0x19: {  	s7 =	sld [smem:$0x3F9C]  }
0x1a: {  	s8 =	sadd.s32 $0xFFFFE003, lr  }
0x1b: {  	s9 =	sadd.s32 $0xFFFFFEF7, lr;
	s5 =	simm.s32 $0xFFFFFFFF;
	p2 =	slt.u32 s8, $0xFFFFF086  }
0x1c: {  	p1 =	slt.u32 s9, $0xF7A;
	s5 =	simm.s32 @!p2 $0x0  }
0x1d: {  	s5 =	simm.s32 @p1 $0x1;
	p0 =	seq.s32 s7, s2  }
0x1e: {  	s7 =	smul.u32 @!p0 $0xF7A, s2;
	p2 =	seq.s32 @!p0 s5, $0x0  }
0x1f: {  	s9 =	smul.u32 $0xF7A, s1;
	s8 =	simm.s32 @!p0 $0x1BF5;
	p2 =	por !p2, p0  }
0x20: {  	[sflag:s8] =	ssyncset.s32 @!p0 $0xFFFFF086;
	s6 =	sadd.s32 @!p0 s3, s7;
	s7 =	simm.s32 @!p0 $0x108  }
0x21: {  	s3 =	sadd.s32 s3, s9;
	s6 =	sadd.s32 @!p0 $0x88, s6;
	s7 =	simm.s32 @p2 $0x1082  }
0x22: {  	[simem:s7], [sflag:s8] =	dma.local @!p0 [hbm:s6], $0xF7A  }
0x23: {  	s9 =	sor.u32 $0xD0000000, s2;
	s6 =	simm.s32 $0x108;
	_ =	swait.ge @!p0 [sflag:s8], $0x0  }
0x24: {  	s3 =	sadd.s32 $0x88, s3;
	s6 =	simm.s32 @!p1 $0x1082;
	[sflag:s4] =	ssyncset.s32 $0xFFFFF086  }
0x25: {  	[simem:s6], [sflag:s4] =	dma.local [hbm:s3], $0xF7A  }
0x26: {  	[smem:$0x3F9C] =	sst s1;
	(tag) =	ssettag s2;
	_ =	strace s9  }
0x27: {  	s1 =	sld [smem:$0x3FAC]  }
0x28: {  	s2 =	sld [smem:$0x3FAD]  }
0x29: {  	s4 =	sld [smem:$0x3FAF]  }
0x2a: {  	p0 =	seq.s32 s5, $0x0;
	s5 =	sld [smem:$0x3FB0]  }
0x2b: {  	s6 =	sld [smem:$0x3FB1]  }
0x2c: {  	s7 =	sld [smem:$0x3FB2]  }
0x2d: {  	s3 =	simm.s32 $0x108;
	s8 =	sld [smem:$0x3FB3]  }
0x2e: {  	s3 =	simm.s32 @!p0 $0x1082;
	s9 =	sld [smem:$0x3FB4]  }
0x2f: {  	lr =	sadd.s32 s0, s3;
	s0 =	sld [smem:$0x3FAB]  }
0x30: {  	s3 =	sld [smem:$0x3FAE]  }
0x31: {  	[smem:$0x3FB7] =	sst s10  }
0x32: {  	s10 =	sld [smem:$0x3FB5];
	_ =	sdelay $0x3  }
0x33: {  	p0 =	seq.s32 s10, $0x1;
	s10 =	sld [smem:$0x3FB7];
	_ =	sdelay $0x3  }
0x34: {  	[smem:$0x3FB7] =	sst s10  }
0x35: {  	s10 =	sld [smem:$0x3FB6];
	_ =	sdelay $0x3  }
0x36: {  	p1 =	seq.s32 s10, $0x1;
	s10 =	sld [smem:$0x3FB7];
	_ =	sdelay $0x3  }
0x37: {  	[smem:$0x3FB7] =	sst s10  }
0x38: {  	s10 =	sld [smem:$0x3FB8]  }
0x39: {  	_ = 	snop;
	(pc) =	sbr.ind lr, $3  }
0x3a: {  	_ = 	snop  }
0x3b: {  	_ = 	snop  }
0x3c: {  	p2 =	seq.s32 s10, $0x1;
	s10 =	sld [smem:$0x3FB7]  }
0x3d: {  	_ =	shalt  }
0x3e: {  	_ =	shalt  }
0x3f: {  	_ =	shalt  }
0x40: {  	_ =	shalt  }
0x41: {  	_ =	shalt  }
0x42: {  	_ =	shalt  }
0x43: {  	_ =	shalt  }
0x44: {  	_ =	shalt  }
0x45: {  	_ =	shalt  }
0x46: {  	_ =	shalt  }
0x47: {  	_ =	shalt  }
0x48: {  	_ =	shalt  }
0x49: {  	_ =	shalt  }
0x4a: {  	_ =	shalt  }
0x4b: {  	_ =	shalt  }
0x4c: {  	_ =	shalt  }
0x4d: {  	_ =	shalt  }
0x4e: {  	_ =	shalt  }
0x4f: {  	_ =	shalt  }
0x50: {  	_ =	shalt  }
0x51: {  	_ =	shalt  }
0x52: {  	_ =	shalt  }
0x53: {  	_ =	shalt  }
0x54: {  	_ =	shalt  }
0x55: {  	_ =	shalt  }
0x56: {  	_ =	shalt  }
0x57: {  	_ =	shalt  }
0x58: {  	_ =	shalt  }
0x59: {  	_ =	shalt  }
0x5a: {  	_ =	shalt  }
0x5b: {  	_ =	shalt  }
0x5c: {  	_ =	shalt  }
0x5d: {  	_ =	shalt  }
0x5e: {  	_ =	shalt  }
0x5f: {  	_ =	shalt  }
0x60: {  	_ =	shalt  }
0x61: {  	_ =	shalt  }
0x62: {  	_ =	shalt  }
0x63: {  	_ =	shalt  }
0x64: {  	_ =	shalt  }
0x65: {  	_ =	shalt  }
0x66: {  	_ =	shalt  }
0x67: {  	_ =	shalt  }
0x68: {  	_ =	shalt  }
0x69: {  	_ =	shalt  }
0x6a: {  	_ =	shalt  }
0x6b: {  	_ =	shalt  }
0x6c: {  	_ =	shalt  }
0x6d: {  	_ =	shalt  }
0x6e: {  	_ =	shalt  }
0x6f: {  	_ =	shalt  }
0x70: {  	_ =	shalt  }
0x71: {  	_ =	shalt  }
0x72: {  	_ =	shalt  }
0x73: {  	_ =	shalt  }
0x74: {  	_ =	shalt  }
0x75: {  	_ =	shalt  }
0x76: {  	_ =	shalt  }
0x77: {  	_ =	shalt  }
0x78: {  	_ =	shalt  }
0x79: {  	_ =	shalt  }
0x7a: {  	_ =	shalt  }
0x7b: {  	_ =	shalt  }
0x7c: {  	_ =	shalt  }
0x7d: {  	_ =	shalt  }
0x7e: {  	_ =	shalt  }
0x7f: {  	_ =	shalt  }
0x80: {  	_ =	shalt  }
0x81: {  	_ =	shalt  }
0x82: {  	_ =	shalt  }
0x83: {  	_ =	shalt  }
0x84: {  	_ =	shalt  }
0x85: {  	_ =	shalt  }
0x86: {  	_ =	shalt  }
0x87: {  	_ =	shalt  }
.Lfunc_end0:
.L_simem_size_0:
called_computation_lowered:
.L_overlay_start_0:
0x88: {  	s2 =	sld [smem:$0x3FD9]  }
0x89: {  	s3 =	sld [smem:$0x3FFE];
	_ =	sdelay $0x1  }
0x8a: {  	s1 =	srdreg.scid  }
0x8b: {  	s0 =	sand.u32 $0x1, s1  }
0x8c: {  	s17 =	sshll.u32 s0, $0xA;
	s2 =	sadd.s32 s3, s2  }
0x8d: {  	s2 =	sadd.s32 s2, s17  }
0x8e: {  	[smem:$0x3FC3] =	sst s2  }
0x8f: {  	_ = 	snop  }
0x90: {  	s2 =	sld [smem:$0x3FD0];
	(tm) =	ssettm $0x1  }
0x91: {  	s18 =	sld [smem:$0x3FFB];
	_ =	sdelay $0x3  }
0x92: {  	_ =	strace s18  }
0x93: {  	s3 =	sld [smem:$0x3FFC];
	_ =	sdelay $0x3  }
0x94: {  	_ =	strace s3  }
0x95: {  	s3 =	sld [smem:$0x3FFD];
	_ =	sdelay $0x3  }
0x96: {  	_ =	strace s3  }
0x97: {  	_ =	strace $0x8FFFFFFF  }
0x98: {  	s19 =	sld [smem:$0x3FDB];
	_ =	sdelay $0x1  }
0x99: {  	s4 =	simm.s32 $_scs_section_size  }
0x9a: {  	s5 =	simm.s32 $_size__tile_overlayer_lowered;
	s6 =	simm.s32 $_tile_overlayer_lowered  }
0x9b: {  	s22 =	simm.s32 $0x1BFF;
	s21 =	sshll.u32 s6, $0x1;
	s3 =	sadd.s32 s4, s19  }
0x9c: {  	s7 =	simm.s32 $0x0;
	s20 =	sshll.u32 s5, $0x1;
	s5 =	sadd.s32 s21, s3  }
0x9d: {  	[timem:s7], [sflag:s22] =	dma.local [hbm:s5], s20  }
0x9e: {  	_ =	swait.ge [sflag:s22], s20  }
0x9f: {  	s4 =	ssub.s32 $0x0, s20;
	[sflag:s22] =	ssyncset.done $0x0  }
0xa0: {  	[sflag:s22] =	ssyncadd.s32 s4;
	_ =	sdelay $0x1  }
0xa1: {  	s23 =	simm.s32 $0x1B8B  }
0xa2: {  	_ =	swait.ge [sflag:s23], $0x1  }
0xa3: {  	[sflag:s23] =	ssyncset.done $0x0  }
0xa4: {  	s25 =	simm.s32 $0x1B8E;
	s24 =	sld [smem:$0x3FFE];
	[sflag:s23] =	ssyncadd.s32 $0xFFFFFFFF  }
0xa5: {  	s26 =	simm.s32 $execute0_lowered;
	[smem:$0x3FD2] =	sst s25  }
0xa6: {  	s5 =	sshll.u32 s26, $0x1;
	_ =	strace $0x80000046;
	[dreg:$0x1] =	wrdreg $0xFFFFFFFF  }
0xa7: {  	s28 =	simm.s32 $_size_execute0_lowered;
	s3 =	sadd.s32 s3, s5;
	[dreg:$0x0] =	wrdreg $0x0  }
0xa8: {  	s5 =	sshll.u32 s28, $0x1;
	[dreg:$0x2] =	wrdreg s3  }
0xa9: {  	[dreg:$0x3] =	wrdreg s5  }
0xaa: {  	[dreg:$0x4] =	wrdreg $0xC0  }
0xab: {  	_ =	task [dreg:s7], $0x5FFFF  }
0xac: {  	[dreg:$0x1] =	wrdreg $0xFFFFFFFF  }
0xad: {  	[dreg:$0x0] =	wrdreg $0x60  }
0xae: {  	[dreg:$0x2] =	wrdreg s24  }
0xaf: {  	[dreg:$0x3] =	wrdreg s2  }
0xb0: {  	[dreg:$0x4] =	wrdreg $0xDB500  }
0xb1: {  	[dreg:$0x5] =	wrdreg $0x9  }
0xb2: {  	_ =	task.clear_ibuf [dreg:s7], $0x6FFFF;
	_ =	strace $0x90000046  }
0xb3: {  	s29 =	simm.s32 $0x9;
	_ =	strace $0x80000048  }
0xb4: {  	_ =	swait.ge [sflag:s29], $0x1  }
0xb5: {  	[sflag:s29] =	ssyncadd.s32 $0xFFFFFFFF  }
0xb6: {  	_ =	strace $0x90000048  }
0xb7: {  	_ =	sfence  }
0xb8: {  	s30 =	sld [smem:$0x0];
	_ =	sdelay $0x2  }
0xb9: {  	s31 =	sshll.u32 s1, $0xD;
	s1 =	sshrl.u32 s1, $0x2  }
0xba: {  	s3 =	sand.u32 $0x4000, s31;
	s1 =	sadd.s32 s1, s30  }
0xbb: {  	s0 =	sor.u32 s3, s0;
	s1 =	sshll.u32 s1, $0x11  }
0xbc: {  	s0 =	sor.u32 s1, s0  }
0xbd: {  	s0 =	sadd.s32 $0x8F2B, s0  }
0xbe: {  	[sflag:s0] =	ssyncadd.remote.s32 $0x1  }
0xbf: {  	_ =	sfence.sel $0xFFFF  }
0xc0: {  	[dreg:$0x0] =	wrdreg $0xFFFFFFFF;
	(pc) =	sbr.abs _section_cstart, $3  }
0xc1: {  	[dreg:$0x1] =	wrdreg $0xFFFFFFFF  }
0xc2: {  	_ =	task.clear_ibuf [dreg:s7], $0x2FFFF;
	_ =	strace $0x9FFFFFFF  }
0xc3: {  	(tm) =	ssettm $0x7FFFFFFF  }
tec
execute0_lowered:
.L_overlay_start_1:
0x0: {  	(tag) =	ssettag $0x1  }
0x1: {  	s0 =	srdreg.scid;
	s1 =	rddreg [dreg:$0x0]  }
0x2: {  	s9 =	stileid.u32;
	s3 =	rddreg [dreg:$0x2]  }
0x3: {  	s12 =	simm.s32 $0x5;
	s15 =	simm.s32 $0x68;
	s23 =	simm.s32 $0xD1A0  }
0x4: {  	s28 =	simm.s32 $0xD270;
	s29 =	simm.s32 $0x2D8;
	s30 =	simm.s32 $0xD2D8  }
0x5: {  	s31 =	simm.s32 $0x1;
	s13 =	simm.s32 $0xD340;
	s14 =	simm.s32 $0x0  }
0x6: {  	s0 =	sand.u32 $0x1, s0;
	s2 =	sshll.u32 s9, $0x8;
	s6 =	smul.u32 $0xF800, s9  }
0x7: {  	s26 =	sshll.u32 s9, $0x6;
	s4 =	sshll.u32 s0, $0x7;
	s0 =	ssub.s32 $0x2, s0  }
0x8: {  	s2 =	sor.u32 s4, s2;
	s4 =	simm.s32 $0x0;
	s24 =	sshrl.u32 s6, $0x3  }
0x9: {  	s7 =	sshrl.u32 s0, $0x1;
	s25 =	sadd.s32 s6, s3;
	s6 =	sor.u32 $0x1C05, s26  }
0xa: {  	s26 =	simm.s32 $0x270;
	s5 =	smul.u32 $0x1A, s2;
	[smem:$0x7FF] =	sst s4  }
0xb: {  	s2 =	sshll.u32 s2, $0x1;
	s0 =	ssub.s32 s0, s7;
	s11 =	sshrl.u32 s25, $0x3  }
.Ltmp0:
0xc: {  	s25 =	simm.s32 $0xD208;
	_ =	strace $0x80000047;
	(pc) =	sbr.rel .LBB2_1-.Ltmp0, $4  }
0xd: {  	s10 =	smax.u32 s0, $0x1;
	s0 =	simm.s32 $0x3;
	s8 =	sadd.s32 s5, s1  }
0xe: {  	s5 =	sadd.s32 s24, s1;
	s1 =	sadd.s32 s2, s1;
	s24 =	simm.s32 $0x208  }
0xf: {  	s2 =	simm.s32 $0x4;
	s5 =	sadd.s32 $0xF8600, s5;
	s7 =	sadd.s32 $0x1A600, s8  }
0x10: {  	vm0 =	vmmov $0xff;
	vm1 =	vcmask $0x704;
	vm2 =	vcmask $0x3F04;
	s8 =	sadd.s32 $0x600, s8;
	s9 =	sadd.s32 $0x34600, s1;
	s1 =	simm.s32 $0x2  }
.LBB2_4:
0x11: {  	s14 =	sadd.s32 $0x1, s14  }
0x12: {  	p0 =	sne.s32 s14, s10  }
.Ltmp1:
0x13: {  	_ = 	snop;
	(pc) =	sbr.rel @!p0 .LBB2_5-.Ltmp1, $4  }
0x14: {  	[hbm4b:s9+s4] =	stream.linear.scatter [tilespmem:s13], [sflag:$0x5], $0x800, $0x38;
	[tilespmem:$0x1D350] =	vst v63  }
0x15: {  	_ =	swait.ge [sflag:s12], $0x800  }
0x16: {  	[sflag:s12] =	ssyncset.done $0x0  }
0x17: {  	[sflag:s12] =	ssyncadd.s32 $0xFFFFF800  }
.LBB2_1:
0x18: {  	[spmem:s11], [sflag:s6] =	dma.local [hbm:s5], $0x1F00  }
0x19: {  	_ =	swait.ge [sflag:s12], $0x1F00  }
0x1a: {  	[sflag:s12] =	ssyncset.done $0x0  }
0x1b: {  	[sflag:s12] =	ssyncadd.s32 $0xFFFFE100  }
0x1c: {  	[tilespmem:s4], [sflag:$0x5] =	stream.linear.gather [hbm4b:s7+s4], $0x6800, $0x38;
	[tilespmem:$0x1D350] =	vst v63  }
0x1d: {  	_ =	swait.ge [sflag:s12], $0x6800  }
0x1e: {  	[sflag:s12] =	ssyncset.done $0x0  }
0x1f: {  	s16 =	simm.s32 $0x6800;
	[sflag:s12] =	ssyncadd.s32 $0xFFFF9800  }
0x20: {  	[tilespmem:s16], [sflag:$0x5] =	stream.linear.gather [hbm4b:s8+s4], $0x6800, $0x38;
	[tilespmem:$0x1D350] =	vst v63  }
0x21: {  	_ =	swait.ge [sflag:s12], $0x6800  }
0x22: {  	[sflag:s12] =	ssyncset.done $0x0  }
0x23: {  	[sflag:s12] =	ssyncadd.s32 $0xFFFF9800  }
0x24: {  	s17 =	simm.s32 $0xDB40;
	s21 =	rddreg [dreg:$0x1]  }
0x25: {  	[tilespmem:s17], [sflag:$0x5] =	stream.linear.gather [hbm4b:s21+s4], $0x10, $0x38;
	[tilespmem:$0x1D350] =	vst v63  }
0x26: {  	_ =	swait.ge [sflag:s12], $0x10  }
0x27: {  	[sflag:s12] =	ssyncset.done $0x0  }
0x28: {  	[sflag:s12] =	ssyncadd.s32 $0xFFFFFFF0  }
0x29: {  	s22 =	simm.s32 $0xD000;
	[bflag:$0x0] =	sbarrier.arrive $0xFFFF  }
0x2a: {  	v0 =	vld [tilespmem:$0xDB40];
	[tilespmem:s22], [sflag:$0x1] =	stream.indirect.gather [spmem:s3], $0x1, s4, s15, $0xb8  }
0x2b: {  	s17 =	simm.s32 $0xD068  }
0x2c: {  	[tilespmem:s17], [sflag:$0x1] =	stream.indirect.gather [spmem:s3], $0x1, s15, s15, $0xb8;
	[tilespmem:$0x1D350] =	vst v63  }
0x2d: {  	s18 =	simm.s32 $0xD0;
	s19 =	simm.s32 $0xD0D0  }
0x2e: {  	[tilespmem:s19], [sflag:$0x2] =	stream.indirect.gather [spmem:s3], $0x1, s18, s15, $0xb8;
	[tilespmem:$0x1D350] =	vst v63  }
0x2f: {  	s20 =	simm.s32 $0x138;
	s21 =	simm.s32 $0xD138  }
0x30: {  	[tilespmem:s21], [sflag:$0x2] =	stream.indirect.gather [spmem:s3], $0x1, s20, s15, $0xb8;
	[tilespmem:$0x1D350] =	vst v63  }
0x31: {  	s22 =	simm.s32 $0x1A0  }
0x32: {  	[tilespmem:s23], [sflag:$0x3] =	stream.indirect.gather [spmem:s3], $0x1, s22, s15, $0xb8;
	[tilespmem:$0x1D350] =	vst v63  }
0x33: {  	_ = 	snop  }
0x34: {  	[tilespmem:s25], [sflag:$0x3] =	stream.indirect.gather [spmem:s3], $0x1, s24, s15, $0xb8;
	[tilespmem:$0x1D350] =	vst v63  }
0x35: {  	_ = 	snop  }
0x36: {  	[tilespmem:s28], [sflag:$0x4] =	stream.indirect.gather [spmem:s3], $0x1, s26, s15, $0xb8;
	[tilespmem:$0x1D350] =	vst v63  }
0x37: {  	s16 =	simm.s32 $0xD360;
	s17 =	simm.s32 $0x0  }
0x38: {  	[tilespmem:s30], [sflag:$0x4] =	stream.indirect.gather [spmem:s3], $0x1, s29, s15, $0xb8;
	[tilespmem:$0x1D350] =	vst v63  }
.LBB2_2:
0x39: {  	_ =	swait.ge [sflag:s31], $0x68  }
0x3a: {  	[sflag:s31] =	ssyncset.done $0x0  }
0x3b: {  	[sflag:s31] =	ssyncadd.s32 $0xFFFFFF98  }
0x3c: {  	_ =	swait.ge [sflag:s31], $0x68  }
0x3d: {  	[sflag:s31] =	ssyncset.done $0x0  }
0x3e: {  	[sflag:s31] =	ssyncadd.s32 $0xFFFFFF98  }
0x3f: {  	s18 =	sshra.s32 s17, $0x2;
	v1 =	vld [tilespmem:$0xD000]  }
0x40: {  	v2 =	vld [tilespmem:s18+$0x6800]  }
0x41: {  	v3 =	vld [tilespmem:$0xD010]  }
0x42: {  	v4 =	vld [tilespmem:s18+$0x6810]  }
0x43: {  	v6 =	vld [tilespmem:$0xD020]  }
0x44: {  	v7 =	vld [tilespmem:s18+$0x6820]  }
0x45: {  	v9 =	vld [tilespmem:$0xD030]  }
0x46: {  	v11 =	vld [tilespmem:$0xD040]  }
0x47: {  	v24 =	vld [tilespmem:s18+$0x6858];
	v5 =	vunpack.i.l.bf16.f32 v1;
	v1 =	vunpack.i.u.bf16.f32 v1  }
0x48: {  	v26 =	vld [tilespmem:$0xD058];
	v5 =	vmul.f32 v5, v2;
	v1 =	vmul.f32 v1, v2;
	v2 =	vadd.f32 $0.0e+00, v2  }
0x49: {  	v10 =	vld [tilespmem:s18+$0x6830];
	v8 =	vunpack.i.l.bf16.f32 v3  }
0x4a: {  	v18 =	vld [tilespmem:s18+$0x6840];
	v3 =	vunpack.i.u.bf16.f32 v3;
	v15 =	vunpack.i.l.bf16.f32 v6;
	v2 =	vadd.f32 v4, v2  }
0x4b: {  	v28 =	vld [tilespmem:$0xD068];
	v16 =	vunpack.i.u.bf16.f32 v6;
	v20 =	vunpack.i.l.bf16.f32 v9;
	v23 =	vunpack.i.l.bf16.f32 v11  }
0x4c: {  	v21 =	vld [tilespmem:s18+$0x6850];
	v25 =	vunpack.i.u.bf16.f32 v11;
	v29 =	vsel vm0, $0x0, v24;
	v2 =	vadd.f32 v7, v2  }
0x4d: {  	v12 =	vld [tilespmem:$0xD078];
	v31 =	vunpack.i.l.bf16.f32 v26;
	v3 =	vmul.f32 v3, v4;
	v1 =	vadd.f32 $0.0e+00, v1  }
0x4e: {  	v34 =	vunpack.i.u.bf16.f32 v26;
	v8 =	vmul.f32 v8, v4;
	v2 =	vadd.f32 v10, v2  }
0x4f: {  	v22 =	vld [tilespmem:$0xD050];
	v5 =	vadd.f32 $0.0e+00, v5;
	v1 =	vadd.f32 v3, v1;
	v3 =	vmul.f32 v16, v7  }
0x50: {  	v35 =	vld [tilespmem:$0xD088];
	v37 =	vunpack.i.l.bf16.f32 v28;
	v17 =	vmul.f32 v15, v7;
	v2 =	vadd.f32 v18, v2  }
0x51: {  	v27 =	vld [tilespmem:s18+$0x6868];
	v5 =	vadd.f32 v8, v5;
	v1 =	vadd.f32 v3, v1;
	v3 =	vunpack.i.u.bf16.f32 v9  }
0x52: {  	v41 =	vunpack.i.l.bf16.f32 v12;
	v3 =	vmul.f32 v3, v10;
	v2 =	vadd.f32 v21, v2  }
0x53: {  	v30 =	vld [tilespmem:s18+$0x6878];
	v43 =	vunpack.i.u.bf16.f32 v12;
	v19 =	vadd.f32 v17, v5;
	v5 =	vmul.f32 v20, v10  }
0x54: {  	v42 =	vld [tilespmem:$0xD098];
	v1 =	vadd.f32 v3, v1;
	v3 =	vmul.f32 v25, v18;
	v2 =	vadd.f32 v29, v2  }
0x55: {  	v33 =	vld [tilespmem:s18+$0x6888];
	v45 =	vunpack.i.l.bf16.f32 v35;
	v9 =	vmul.f32 v23, v18;
	v4 =	vadd.f32 v5, v19  }
0x56: {  	v1 =	vadd.f32 v3, v1;
	v3 =	vunpack.i.l.bf16.f32 v22;
	v2 =	vadd.f32 v27, v2  }
0x57: {  	v38 =	vld [tilespmem:s18+$0x6898];
	v7 =	vunpack.i.u.bf16.f32 v22;
	v4 =	vadd.f32 v9, v4;
	v3 =	vmul.f32 v3, v21  }
0x58: {  	v46 =	vunpack.i.u.bf16.f32 v35;
	v6 =	vmul.f32 v7, v21;
	v2 =	vadd.f32 v30, v2  }
0x59: {  	v40 =	vld [tilespmem:s18+$0x68A8];
	v50 =	vunpack.i.l.bf16.f32 v42;
	v32 =	vmul.f32 v31, v29;
	v3 =	vadd.f32 v3, v4  }
0x5a: {  	v13 =	vld [tilespmem:s18+$0x68C0];
	v36 =	vmul.f32 v34, v29;
	v1 =	vadd.f32 v6, v1;
	v2 =	vadd.f32 v33, v2  }
0x5b: {  	v44 =	vld [tilespmem:s18+$0x68B8];
	v8 =	vunpack.i.u.bf16.f32 v28;
	v6 =	vmul.f32 v37, v27;
	v3 =	vadd.f32 v32, v3  }
0x5c: {  	v47 =	vld [tilespmem:$0xD0A8];
	v39 =	vmul.f32 v8, v27;
	v1 =	vadd.f32 v36, v1;
	v2 =	vadd.f32 v38, v2  }
0x5d: {  	v51 =	vunpack.i.u.bf16.f32 v42;
	v3 =	vadd.f32 v6, v3;
	v6 =	vmul.f32 v41, v30  }
0x5e: {  	v4 =	vmul.f32 v43, v30;
	v1 =	vadd.f32 v39, v1;
	v2 =	vadd.f32 v40, v2  }
0x5f: {  	v49 =	vld [tilespmem:$0xD0B8];
	v52 =	vsel vm0, $0x0, v13;
	v10 =	vmul.f32 v45, v33;
	v3 =	vadd.f32 v6, v3  }
0x60: {  	v48 =	vmul.f32 v46, v33;
	v1 =	vadd.f32 v4, v1;
	v2 =	vadd.f32 v44, v2  }
0x61: {  	v53 =	vld [tilespmem:$0xD0C0];
	v54 =	vunpack.i.l.bf16.f32 v47;
	v4 =	vmul.f32 v50, v38;
	v3 =	vadd.f32 v10, v3  }
0x62: {  	v7 =	vmul.f32 v51, v38;
	v1 =	vadd.f32 v48, v1;
	v2 =	vadd.f32 v52, v2  }
0x63: {  	v55 =	vunpack.i.u.bf16.f32 v47;
	v9 =	vmul.f32 v54, v40;
	v3 =	vadd.f32 v4, v3  }
0x64: {  	v56 =	vunpack.i.l.bf16.f32 v49;
	v1 =	vadd.f32 v7, v1;
	v4 =	vmul.f32 v55, v40;
	(xrf2) =	vadd.scan.msk.f32 $0xffff, v2  }
0x65: {  	v5 =	vmul.f32 v56, v44;
	v2 =	vadd.f32 v9, v3;
	v3 =	vunpack.i.u.bf16.f32 v49  }
0x66: {  	v57 =	vunpack.i.l.bf16.f32 v53;
	v1 =	vadd.f32 v4, v1;
	v3 =	vmul.f32 v3, v44  }
0x67: {  	v58 =	vunpack.i.u.bf16.f32 v53;
	v4 =	vmul.f32 v57, v52;
	v2 =	vadd.f32 v5, v2  }
0x68: {  	v1 =	vadd.f32 v3, v1;
	v3 =	vmul.f32 v58, v52  }
0x69: {  	v2 =	vadd.f32 v4, v2  }
0x6a: {  	v1 =	vadd.f32 v3, v1  }
0x6b: {  	(xrf2) =	vadd.scan.msk.f32 $0xffff, v2  }
0x6c: {  	(xrf2) =	vadd.scan.msk.f32 $0xffff, v1;
	_ =	sdelay $0x1  }
0x6d: {  	v1, _, _ =	vpop (xrf2)  }
0x6e: {  	v1 =	vbroadcast v1, $0xF;
	_ =	sdelay $0x1  }
0x6f: {  	(erf) = vrcp.f32 v1;
	_ =	sdelay $0x3  }
0x70: {  	v1, _, _ =	vpop (xrf2)  }
0x71: {  	v2, _, _ =	vpop (xrf2)  }
0x72: {  	v2 =	vbroadcast v2, $0xF  }
0x73: {  	v1 =	vbroadcast v1, $0xF  }
0x74: {  	v2 =	vnsel vm1, $0x0, v2  }
0x75: {  	v1 =	vsel vm2, v2, v1;
	v3 =	vpop (erf)  }
0x76: {  	v1 =	vmul.f32 v1, v3;
	_ =	sdelay $0x1  }
0x77: {  	p0 =	seq.s32 s17, $0x19300;
	v1 =	vadd.f32 v1, v0  }
0x78: {  	s19 =	sshra.s32 @!p0 s17, $0x2  }
0x79: {  	s20 =	simm.s32 @!p0 $0x68;
	s22 =	simm.s32 @!p0 $0xD000;
	s21 =	sadd.s32 @!p0 $0x340, s19;
	[tilespmem:s16+$0xFFFFFFE0] =	vst v1  }
0x7a: {  	[tilespmem:s22], [sflag:$0x1] =	stream.indirect.gather @!p0 [spmem:s3], $0x1, s21, s20, $0xb8;
	[tilespmem:$0x1D350] =	vst v63  }
0x7b: {  	s21 =	sadd.s32 @!p0 $0x3A8, s19;
	s22 =	simm.s32 @!p0 $0xD068  }
0x7c: {  	[tilespmem:s22], [sflag:$0x1] =	stream.indirect.gather @!p0 [spmem:s3], $0x1, s21, s20, $0xb8;
	[tilespmem:$0x1D350] =	vst v63  }
0x7d: {  	_ =	swait.ge [sflag:s1], $0x68  }
0x7e: {  	[sflag:s1] =	ssyncset.done $0x0  }
0x7f: {  	[sflag:s1] =	ssyncadd.s32 $0xFFFFFF98  }
0x80: {  	_ =	swait.ge [sflag:s1], $0x68  }
0x81: {  	[sflag:s1] =	ssyncset.done $0x0  }
0x82: {  	[sflag:s1] =	ssyncadd.s32 $0xFFFFFF98  }
0x83: {  	v1 =	vld [tilespmem:$0xD0D0]  }
0x84: {  	v2 =	vld [tilespmem:s18+$0x68D0]  }
0x85: {  	v3 =	vld [tilespmem:$0xD0E0]  }
0x86: {  	v59 =	vld [tilespmem:s18+$0x68E0]  }
0x87: {  	v61 =	vld [tilespmem:$0xD0F0]  }
0x88: {  	v62 =	vld [tilespmem:s18+$0x68F0]  }
0x89: {  	v12 =	vld [tilespmem:$0xD100]  }
0x8a: {  	v13 =	vld [tilespmem:s18+$0x6900]  }
0x8b: {  	v15 =	vld [tilespmem:$0xD110]  }
0x8c: {  	v22 =	vld [tilespmem:$0xD120];
	v60 =	vunpack.i.l.bf16.f32 v1;
	v1 =	vunpack.i.u.bf16.f32 v1  }
0x8d: {  	v24 =	vld [tilespmem:s18+$0x6928];
	v5 =	vmul.f32 v60, v2;
	v1 =	vmul.f32 v1, v2;
	v2 =	vadd.f32 $0.0e+00, v2  }
0x8e: {  	v26 =	vld [tilespmem:$0xD128];
	v63 =	vunpack.i.l.bf16.f32 v3  }
0x8f: {  	v3 =	vunpack.i.u.bf16.f32 v3;
	v14 =	vunpack.i.l.bf16.f32 v61;
	v2 =	vadd.f32 v59, v2  }
0x90: {  	v18 =	vld [tilespmem:s18+$0x6910];
	v16 =	vunpack.i.u.bf16.f32 v61;
	v20 =	vunpack.i.l.bf16.f32 v12;
	v23 =	vunpack.i.l.bf16.f32 v15  }
0x91: {  	v21 =	vld [tilespmem:s18+$0x6920];
	v25 =	vunpack.i.u.bf16.f32 v15;
	v7 =	vunpack.i.u.bf16.f32 v22;
	v2 =	vadd.f32 v62, v2  }
0x92: {  	v28 =	vld [tilespmem:$0xD138];
	v29 =	vsel vm0, $0x0, v24;
	v3 =	vmul.f32 v3, v59;
	v1 =	vadd.f32 $0.0e+00, v1  }
0x93: {  	v32 =	vld [tilespmem:$0xD148];
	v31 =	vunpack.i.l.bf16.f32 v26;
	v8 =	vmul.f32 v63, v59;
	v2 =	vadd.f32 v13, v2  }
0x94: {  	v5 =	vadd.f32 $0.0e+00, v5;
	v1 =	vadd.f32 v3, v1;
	v3 =	vmul.f32 v16, v62  }
0x95: {  	v35 =	vunpack.i.u.bf16.f32 v26;
	v17 =	vmul.f32 v14, v62;
	v2 =	vadd.f32 v18, v2  }
0x96: {  	v27 =	vld [tilespmem:s18+$0x6938];
	v5 =	vadd.f32 v8, v5;
	v1 =	vadd.f32 v3, v1;
	v3 =	vunpack.i.u.bf16.f32 v12  }
0x97: {  	v36 =	vld [tilespmem:$0xD158];
	v38 =	vunpack.i.l.bf16.f32 v28;
	v3 =	vmul.f32 v3, v13;
	v2 =	vadd.f32 v21, v2  }
0x98: {  	v30 =	vld [tilespmem:s18+$0x6948];
	v42 =	vunpack.i.l.bf16.f32 v32;
	v19 =	vadd.f32 v17, v5;
	v5 =	vmul.f32 v20, v13  }
0x99: {  	v43 =	vld [tilespmem:$0xD168];
	v1 =	vadd.f32 v3, v1;
	v3 =	vmul.f32 v25, v18;
	v2 =	vadd.f32 v29, v2  }
0x9a: {  	v34 =	vld [tilespmem:s18+$0x6958];
	v44 =	vunpack.i.u.bf16.f32 v32;
	v9 =	vmul.f32 v23, v18;
	v4 =	vadd.f32 v5, v19  }
0x9b: {  	v1 =	vadd.f32 v3, v1;
	v3 =	vunpack.i.l.bf16.f32 v22;
	v2 =	vadd.f32 v27, v2  }
0x9c: {  	v39 =	vld [tilespmem:s18+$0x6968];
	v46 =	vunpack.i.l.bf16.f32 v36;
	v4 =	vadd.f32 v9, v4;
	v3 =	vmul.f32 v3, v21  }
0x9d: {  	v48 =	vunpack.i.u.bf16.f32 v36;
	v6 =	vmul.f32 v7, v21;
	v2 =	vadd.f32 v30, v2  }
0x9e: {  	v41 =	vld [tilespmem:s18+$0x6978];
	v52 =	vunpack.i.l.bf16.f32 v43;
	v33 =	vmul.f32 v31, v29;
	v3 =	vadd.f32 v3, v4  }
0x9f: {  	v47 =	vld [tilespmem:s18+$0x6990];
	v37 =	vmul.f32 v35, v29;
	v1 =	vadd.f32 v6, v1;
	v2 =	vadd.f32 v34, v2  }
0xa0: {  	v45 =	vld [tilespmem:s18+$0x6988];
	v8 =	vunpack.i.u.bf16.f32 v28;
	v6 =	vmul.f32 v38, v27;
	v3 =	vadd.f32 v33, v3  }
0xa1: {  	v49 =	vld [tilespmem:$0xD178];
	v40 =	vmul.f32 v8, v27;
	v1 =	vadd.f32 v37, v1;
	v2 =	vadd.f32 v39, v2  }
0xa2: {  	v53 =	vunpack.i.u.bf16.f32 v43;
	v3 =	vadd.f32 v6, v3;
	v6 =	vmul.f32 v42, v30  }
0xa3: {  	v4 =	vmul.f32 v44, v30;
	v1 =	vadd.f32 v40, v1;
	v2 =	vadd.f32 v41, v2  }
0xa4: {  	v51 =	vld [tilespmem:$0xD188];
	v54 =	vsel vm0, $0x0, v47;
	v10 =	vmul.f32 v46, v34;
	v3 =	vadd.f32 v6, v3  }
0xa5: {  	v50 =	vmul.f32 v48, v34;
	v1 =	vadd.f32 v4, v1;
	v2 =	vadd.f32 v45, v2  }
0xa6: {  	v55 =	vld [tilespmem:$0xD190];
	v56 =	vunpack.i.l.bf16.f32 v49;
	v4 =	vmul.f32 v52, v39;
	v3 =	vadd.f32 v10, v3  }
0xa7: {  	v7 =	vmul.f32 v53, v39;
	v1 =	vadd.f32 v50, v1;
	v2 =	vadd.f32 v54, v2  }
0xa8: {  	v57 =	vunpack.i.u.bf16.f32 v49;
	v9 =	vmul.f32 v56, v41;
	v3 =	vadd.f32 v4, v3  }
0xa9: {  	v58 =	vunpack.i.l.bf16.f32 v51;
	v1 =	vadd.f32 v7, v1;
	v4 =	vmul.f32 v57, v41;
	(xrf2) =	vadd.scan.msk.f32 $0xffff, v2  }
0xaa: {  	v5 =	vmul.f32 v58, v45;
	v2 =	vadd.f32 v9, v3;
	v3 =	vunpack.i.u.bf16.f32 v51  }
0xab: {  	v59 =	vunpack.i.l.bf16.f32 v55;
	v1 =	vadd.f32 v4, v1;
	v3 =	vmul.f32 v3, v45  }
0xac: {  	v60 =	vunpack.i.u.bf16.f32 v55;
	v4 =	vmul.f32 v59, v54;
	v2 =	vadd.f32 v5, v2  }
0xad: {  	v1 =	vadd.f32 v3, v1;
	v3 =	vmul.f32 v60, v54  }
0xae: {  	v2 =	vadd.f32 v4, v2  }
0xaf: {  	v1 =	vadd.f32 v3, v1  }
0xb0: {  	(xrf2) =	vadd.scan.msk.f32 $0xffff, v2  }
0xb1: {  	(xrf2) =	vadd.scan.msk.f32 $0xffff, v1;
	_ =	sdelay $0x1  }
0xb2: {  	v1, _, _ =	vpop (xrf2)  }
0xb3: {  	v1 =	vbroadcast v1, $0xF;
	_ =	sdelay $0x1  }
0xb4: {  	(erf) = vrcp.f32 v1;
	_ =	sdelay $0x3  }
0xb5: {  	v1, _, _ =	vpop (xrf2)  }
0xb6: {  	v2, _, _ =	vpop (xrf2)  }
0xb7: {  	v2 =	vbroadcast v2, $0xF  }
0xb8: {  	v1 =	vbroadcast v1, $0xF  }
0xb9: {  	v2 =	vnsel vm1, $0x0, v2  }
0xba: {  	v1 =	vsel vm2, v2, v1;
	v3 =	vpop (erf)  }
0xbb: {  	v1 =	vmul.f32 v1, v3;
	_ =	sdelay $0x1  }
0xbc: {  	v1 =	vadd.f32 v1, v0;
	_ =	sdelay $0x1  }
0xbd: {  	s21 =	sadd.s32 @!p0 $0x410, s19;
	s22 =	simm.s32 @!p0 $0xD0D0;
	[tilespmem:s16+$0xFFFFFFF0] =	vst v1  }
0xbe: {  	[tilespmem:s22], [sflag:$0x2] =	stream.indirect.gather @!p0 [spmem:s3], $0x1, s21, s20, $0xb8;
	[tilespmem:$0x1D350] =	vst v63  }
0xbf: {  	s21 =	sadd.s32 @!p0 $0x478, s19;
	s22 =	simm.s32 @!p0 $0xD138  }
0xc0: {  	[tilespmem:s22], [sflag:$0x2] =	stream.indirect.gather @!p0 [spmem:s3], $0x1, s21, s20, $0xb8;
	[tilespmem:$0x1D350] =	vst v63  }
0xc1: {  	_ =	swait.ge [sflag:s0], $0x68  }
0xc2: {  	[sflag:s0] =	ssyncset.done $0x0  }
0xc3: {  	[sflag:s0] =	ssyncadd.s32 $0xFFFFFF98  }
0xc4: {  	_ =	swait.ge [sflag:s0], $0x68  }
0xc5: {  	[sflag:s0] =	ssyncset.done $0x0  }
0xc6: {  	[sflag:s0] =	ssyncadd.s32 $0xFFFFFF98  }
0xc7: {  	v1 =	vld [tilespmem:$0xD1A0]  }
0xc8: {  	v2 =	vld [tilespmem:s18+$0x69A0]  }
0xc9: {  	v3 =	vld [tilespmem:$0xD1B0]  }
0xca: {  	v61 =	vld [tilespmem:s18+$0x69B0]  }
0xcb: {  	v63 =	vld [tilespmem:$0xD1C0]  }
0xcc: {  	v12 =	vld [tilespmem:s18+$0x69C0]  }
0xcd: {  	v14 =	vld [tilespmem:$0xD1D0]  }
0xce: {  	v15 =	vld [tilespmem:s18+$0x69D0]  }
0xcf: {  	v17 =	vld [tilespmem:$0xD1E0]  }
0xd0: {  	v24 =	vld [tilespmem:$0xD1F0];
	v62 =	vunpack.i.l.bf16.f32 v1;
	v1 =	vunpack.i.u.bf16.f32 v1  }
0xd1: {  	v26 =	vld [tilespmem:s18+$0x69F8];
	v5 =	vmul.f32 v62, v2;
	v1 =	vmul.f32 v1, v2;
	v2 =	vadd.f32 $0.0e+00, v2  }
0xd2: {  	v28 =	vld [tilespmem:$0xD1F8];
	v13 =	vunpack.i.l.bf16.f32 v3  }
0xd3: {  	v3 =	vunpack.i.u.bf16.f32 v3;
	v16 =	vunpack.i.l.bf16.f32 v63;
	v2 =	vadd.f32 v61, v2  }
0xd4: {  	v20 =	vld [tilespmem:s18+$0x69E0];
	v18 =	vunpack.i.u.bf16.f32 v63;
	v22 =	vunpack.i.l.bf16.f32 v14;
	v25 =	vunpack.i.l.bf16.f32 v17  }
0xd5: {  	v23 =	vld [tilespmem:s18+$0x69F0];
	v27 =	vunpack.i.u.bf16.f32 v17;
	v7 =	vunpack.i.u.bf16.f32 v24;
	v2 =	vadd.f32 v12, v2  }
0xd6: {  	v30 =	vld [tilespmem:$0xD208];
	v31 =	vsel vm0, $0x0, v26;
	v3 =	vmul.f32 v3, v61;
	v1 =	vadd.f32 $0.0e+00, v1  }
0xd7: {  	v34 =	vld [tilespmem:$0xD218];
	v33 =	vunpack.i.l.bf16.f32 v28;
	v8 =	vmul.f32 v13, v61;
	v2 =	vadd.f32 v15, v2  }
0xd8: {  	v5 =	vadd.f32 $0.0e+00, v5;
	v1 =	vadd.f32 v3, v1;
	v3 =	vmul.f32 v18, v12  }
0xd9: {  	v37 =	vunpack.i.u.bf16.f32 v28;
	v19 =	vmul.f32 v16, v12;
	v2 =	vadd.f32 v20, v2  }
0xda: {  	v29 =	vld [tilespmem:s18+$0x6A08];
	v5 =	vadd.f32 v8, v5;
	v1 =	vadd.f32 v3, v1;
	v3 =	vunpack.i.u.bf16.f32 v14  }
0xdb: {  	v38 =	vld [tilespmem:$0xD228];
	v40 =	vunpack.i.l.bf16.f32 v30;
	v3 =	vmul.f32 v3, v15;
	v2 =	vadd.f32 v23, v2  }
0xdc: {  	v32 =	vld [tilespmem:s18+$0x6A18];
	v44 =	vunpack.i.l.bf16.f32 v34;
	v21 =	vadd.f32 v19, v5;
	v5 =	vmul.f32 v22, v15  }
0xdd: {  	v45 =	vld [tilespmem:$0xD238];
	v1 =	vadd.f32 v3, v1;
	v3 =	vmul.f32 v27, v20;
	v2 =	vadd.f32 v31, v2  }
0xde: {  	v36 =	vld [tilespmem:s18+$0x6A28];
	v46 =	vunpack.i.u.bf16.f32 v34;
	v9 =	vmul.f32 v25, v20;
	v4 =	vadd.f32 v5, v21  }
0xdf: {  	v1 =	vadd.f32 v3, v1;
	v3 =	vunpack.i.l.bf16.f32 v24;
	v2 =	vadd.f32 v29, v2  }
0xe0: {  	v41 =	vld [tilespmem:s18+$0x6A38];
	v48 =	vunpack.i.l.bf16.f32 v38;
	v4 =	vadd.f32 v9, v4;
	v3 =	vmul.f32 v3, v23  }
0xe1: {  	v50 =	vunpack.i.u.bf16.f32 v38;
	v6 =	vmul.f32 v7, v23;
	v2 =	vadd.f32 v32, v2  }
0xe2: {  	v43 =	vld [tilespmem:s18+$0x6A48];
	v54 =	vunpack.i.l.bf16.f32 v45;
	v35 =	vmul.f32 v33, v31;
	v3 =	vadd.f32 v3, v4  }
0xe3: {  	v49 =	vld [tilespmem:s18+$0x6A60];
	v39 =	vmul.f32 v37, v31;
	v1 =	vadd.f32 v6, v1;
	v2 =	vadd.f32 v36, v2  }
0xe4: {  	v47 =	vld [tilespmem:s18+$0x6A58];
	v8 =	vunpack.i.u.bf16.f32 v30;
	v6 =	vmul.f32 v40, v29;
	v3 =	vadd.f32 v35, v3  }
0xe5: {  	v51 =	vld [tilespmem:$0xD248];
	v42 =	vmul.f32 v8, v29;
	v1 =	vadd.f32 v39, v1;
	v2 =	vadd.f32 v41, v2  }
0xe6: {  	v55 =	vunpack.i.u.bf16.f32 v45;
	v3 =	vadd.f32 v6, v3;
	v6 =	vmul.f32 v44, v32  }
0xe7: {  	v4 =	vmul.f32 v46, v32;
	v1 =	vadd.f32 v42, v1;
	v2 =	vadd.f32 v43, v2  }
0xe8: {  	v53 =	vld [tilespmem:$0xD258];
	v56 =	vsel vm0, $0x0, v49;
	v10 =	vmul.f32 v48, v36;
	v3 =	vadd.f32 v6, v3  }
0xe9: {  	v52 =	vmul.f32 v50, v36;
	v1 =	vadd.f32 v4, v1;
	v2 =	vadd.f32 v47, v2  }
0xea: {  	v57 =	vld [tilespmem:$0xD260];
	v58 =	vunpack.i.l.bf16.f32 v51;
	v4 =	vmul.f32 v54, v41;
	v3 =	vadd.f32 v10, v3  }
0xeb: {  	v7 =	vmul.f32 v55, v41;
	v1 =	vadd.f32 v52, v1;
	v2 =	vadd.f32 v56, v2  }
0xec: {  	v59 =	vunpack.i.u.bf16.f32 v51;
	v9 =	vmul.f32 v58, v43;
	v3 =	vadd.f32 v4, v3  }
0xed: {  	v60 =	vunpack.i.l.bf16.f32 v53;
	v1 =	vadd.f32 v7, v1;
	v4 =	vmul.f32 v59, v43;
	(xrf2) =	vadd.scan.msk.f32 $0xffff, v2  }
0xee: {  	v5 =	vmul.f32 v60, v47;
	v2 =	vadd.f32 v9, v3;
	v3 =	vunpack.i.u.bf16.f32 v53  }
0xef: {  	v61 =	vunpack.i.l.bf16.f32 v57;
	v1 =	vadd.f32 v4, v1;
	v3 =	vmul.f32 v3, v47  }
0xf0: {  	v62 =	vunpack.i.u.bf16.f32 v57;
	v4 =	vmul.f32 v61, v56;
	v2 =	vadd.f32 v5, v2  }
0xf1: {  	v1 =	vadd.f32 v3, v1;
	v3 =	vmul.f32 v62, v56  }
0xf2: {  	v2 =	vadd.f32 v4, v2  }
0xf3: {  	v1 =	vadd.f32 v3, v1  }
0xf4: {  	(xrf2) =	vadd.scan.msk.f32 $0xffff, v2  }
0xf5: {  	(xrf2) =	vadd.scan.msk.f32 $0xffff, v1;
	_ =	sdelay $0x1  }
0xf6: {  	v1, _, _ =	vpop (xrf2)  }
0xf7: {  	v1 =	vbroadcast v1, $0xF;
	_ =	sdelay $0x1  }
0xf8: {  	(erf) = vrcp.f32 v1;
	_ =	sdelay $0x3  }
0xf9: {  	v1, _, _ =	vpop (xrf2)  }
0xfa: {  	v2, _, _ =	vpop (xrf2)  }
0xfb: {  	v2 =	vbroadcast v2, $0xF  }
0xfc: {  	v1 =	vbroadcast v1, $0xF  }
0xfd: {  	v2 =	vnsel vm1, $0x0, v2  }
0xfe: {  	v1 =	vsel vm2, v2, v1;
	v3 =	vpop (erf)  }
0xff: {  	v1 =	vmul.f32 v1, v3;
	_ =	sdelay $0x1  }
0x100: {  	v1 =	vadd.f32 v1, v0;
	_ =	sdelay $0x1  }
0x101: {  	s21 =	sadd.s32 @!p0 $0x4E0, s19;
	s22 =	simm.s32 @!p0 $0xD1A0;
	[tilespmem:s16+$0x0] =	vst v1  }
0x102: {  	[tilespmem:s22], [sflag:$0x3] =	stream.indirect.gather @!p0 [spmem:s3], $0x1, s21, s20, $0xb8;
	[tilespmem:$0x1D350] =	vst v63  }
0x103: {  	s19 =	sadd.s32 @!p0 $0x548, s19;
	s21 =	simm.s32 @!p0 $0xD208  }
0x104: {  	[tilespmem:s21], [sflag:$0x3] =	stream.indirect.gather @!p0 [spmem:s3], $0x1, s19, s20, $0xb8;
	[tilespmem:$0x1D350] =	vst v63  }
0x105: {  	_ =	swait.ge [sflag:s2], $0x68  }
0x106: {  	[sflag:s2] =	ssyncset.done $0x0  }
0x107: {  	[sflag:s2] =	ssyncadd.s32 $0xFFFFFF98  }
0x108: {  	_ =	swait.ge [sflag:s2], $0x68  }
0x109: {  	[sflag:s2] =	ssyncset.done $0x0  }
0x10a: {  	[sflag:s2] =	ssyncadd.s32 $0xFFFFFF98  }
0x10b: {  	v1 =	vld [tilespmem:$0xD270]  }
0x10c: {  	v2 =	vld [tilespmem:s18+$0x6A70]  }
0x10d: {  	v3 =	vld [tilespmem:$0xD280]  }
0x10e: {  	v63 =	vld [tilespmem:s18+$0x6A80]  }
0x10f: {  	v12 =	vld [tilespmem:$0xD290]  }
0x110: {  	v13 =	vld [tilespmem:s18+$0x6A90]  }
0x111: {  	v15 =	vld [tilespmem:$0xD2A0]  }
0x112: {  	v16 =	vld [tilespmem:s18+$0x6AA0]  }
0x113: {  	v18 =	vld [tilespmem:$0xD2B0]  }
0x114: {  	v25 =	vld [tilespmem:$0xD2C0];
	v11 =	vunpack.i.l.bf16.f32 v1;
	v1 =	vunpack.i.u.bf16.f32 v1  }
0x115: {  	v27 =	vld [tilespmem:s18+$0x6AC8];
	v5 =	vmul.f32 v11, v2;
	v1 =	vmul.f32 v1, v2;
	v2 =	vadd.f32 $0.0e+00, v2  }
0x116: {  	v29 =	vld [tilespmem:$0xD2C8];
	v14 =	vunpack.i.l.bf16.f32 v3  }
0x117: {  	v3 =	vunpack.i.u.bf16.f32 v3;
	v17 =	vunpack.i.l.bf16.f32 v12;
	v2 =	vadd.f32 v63, v2  }
0x118: {  	v21 =	vld [tilespmem:s18+$0x6AB0];
	v19 =	vunpack.i.u.bf16.f32 v12;
	v23 =	vunpack.i.l.bf16.f32 v15;
	v26 =	vunpack.i.l.bf16.f32 v18  }
0x119: {  	v24 =	vld [tilespmem:s18+$0x6AC0];
	v28 =	vunpack.i.u.bf16.f32 v18;
	v7 =	vunpack.i.u.bf16.f32 v25;
	v2 =	vadd.f32 v13, v2  }
0x11a: {  	v31 =	vld [tilespmem:$0xD2D8];
	v32 =	vsel vm0, $0x0, v27;
	v3 =	vmul.f32 v3, v63;
	v1 =	vadd.f32 $0.0e+00, v1  }
0x11b: {  	v35 =	vld [tilespmem:$0xD2E8];
	v34 =	vunpack.i.l.bf16.f32 v29;
	v8 =	vmul.f32 v14, v63;
	v2 =	vadd.f32 v16, v2  }
0x11c: {  	v5 =	vadd.f32 $0.0e+00, v5;
	v1 =	vadd.f32 v3, v1;
	v3 =	vmul.f32 v19, v13  }
0x11d: {  	v38 =	vunpack.i.u.bf16.f32 v29;
	v20 =	vmul.f32 v17, v13;
	v2 =	vadd.f32 v21, v2  }
0x11e: {  	v30 =	vld [tilespmem:s18+$0x6AD8];
	v5 =	vadd.f32 v8, v5;
	v1 =	vadd.f32 v3, v1;
	v3 =	vunpack.i.u.bf16.f32 v15  }
0x11f: {  	v39 =	vld [tilespmem:$0xD2F8];
	v41 =	vunpack.i.l.bf16.f32 v31;
	v3 =	vmul.f32 v3, v16;
	v2 =	vadd.f32 v24, v2  }
0x120: {  	v33 =	vld [tilespmem:s18+$0x6AE8];
	v45 =	vunpack.i.l.bf16.f32 v35;
	v22 =	vadd.f32 v20, v5;
	v5 =	vmul.f32 v23, v16  }
0x121: {  	v46 =	vld [tilespmem:$0xD308];
	v1 =	vadd.f32 v3, v1;
	v3 =	vmul.f32 v28, v21;
	v2 =	vadd.f32 v32, v2  }
0x122: {  	v37 =	vld [tilespmem:s18+$0x6AF8];
	v47 =	vunpack.i.u.bf16.f32 v35;
	v9 =	vmul.f32 v26, v21;
	v4 =	vadd.f32 v5, v22  }
0x123: {  	v1 =	vadd.f32 v3, v1;
	v3 =	vunpack.i.l.bf16.f32 v25;
	v2 =	vadd.f32 v30, v2  }
0x124: {  	v42 =	vld [tilespmem:s18+$0x6B08];
	v49 =	vunpack.i.l.bf16.f32 v39;
	v4 =	vadd.f32 v9, v4;
	v3 =	vmul.f32 v3, v24  }
0x125: {  	v51 =	vunpack.i.u.bf16.f32 v39;
	v6 =	vmul.f32 v7, v24;
	v2 =	vadd.f32 v33, v2  }
0x126: {  	v44 =	vld [tilespmem:s18+$0x6B18];
	v55 =	vunpack.i.l.bf16.f32 v46;
	v36 =	vmul.f32 v34, v32;
	v3 =	vadd.f32 v3, v4  }
0x127: {  	v50 =	vld [tilespmem:s18+$0x6B30];
	v40 =	vmul.f32 v38, v32;
	v1 =	vadd.f32 v6, v1;
	v2 =	vadd.f32 v37, v2  }
0x128: {  	v48 =	vld [tilespmem:s18+$0x6B28];
	v8 =	vunpack.i.u.bf16.f32 v31;
	v6 =	vmul.f32 v41, v30;
	v3 =	vadd.f32 v36, v3  }
0x129: {  	v52 =	vld [tilespmem:$0xD318];
	v43 =	vmul.f32 v8, v30;
	v1 =	vadd.f32 v40, v1;
	v2 =	vadd.f32 v42, v2  }
0x12a: {  	v56 =	vunpack.i.u.bf16.f32 v46;
	v3 =	vadd.f32 v6, v3;
	v6 =	vmul.f32 v45, v33  }
0x12b: {  	v4 =	vmul.f32 v47, v33;
	v1 =	vadd.f32 v43, v1;
	v2 =	vadd.f32 v44, v2  }
0x12c: {  	v54 =	vld [tilespmem:$0xD328];
	v57 =	vsel vm0, $0x0, v50;
	v10 =	vmul.f32 v49, v37;
	v3 =	vadd.f32 v6, v3  }
0x12d: {  	v53 =	vmul.f32 v51, v37;
	v1 =	vadd.f32 v4, v1;
	v2 =	vadd.f32 v48, v2  }
0x12e: {  	v58 =	vld [tilespmem:$0xD330];
	v59 =	vunpack.i.l.bf16.f32 v52;
	v4 =	vmul.f32 v55, v42;
	v3 =	vadd.f32 v10, v3  }
0x12f: {  	v7 =	vmul.f32 v56, v42;
	v1 =	vadd.f32 v53, v1;
	v2 =	vadd.f32 v57, v2  }
0x130: {  	v60 =	vunpack.i.u.bf16.f32 v52;
	v9 =	vmul.f32 v59, v44;
	v3 =	vadd.f32 v4, v3  }
0x131: {  	v1 =	vadd.f32 v7, v1;
	v4 =	vmul.f32 v60, v44;
	(xrf2) =	vadd.scan.msk.f32 $0xffff, v2;
	v2 =	vunpack.i.l.bf16.f32 v54  }
0x132: {  	v61 =	vunpack.i.u.bf16.f32 v54;
	v3 =	vadd.f32 v9, v3;
	v2 =	vmul.f32 v2, v48  }
0x133: {  	v62 =	vmul.f32 v61, v48;
	v63 =	vunpack.i.l.bf16.f32 v58;
	v1 =	vadd.f32 v4, v1  }
0x134: {  	v5 =	vmul.f32 v63, v57;
	v2 =	vadd.f32 v2, v3;
	v3 =	vunpack.i.u.bf16.f32 v58  }
0x135: {  	v1 =	vadd.f32 v62, v1;
	v3 =	vmul.f32 v3, v57  }
0x136: {  	v2 =	vadd.f32 v5, v2  }
0x137: {  	v1 =	vadd.f32 v3, v1  }
0x138: {  	(xrf2) =	vadd.scan.msk.f32 $0xffff, v2  }
0x139: {  	(xrf2) =	vadd.scan.msk.f32 $0xffff, v1;
	_ =	sdelay $0x1  }
0x13a: {  	v1, _, _ =	vpop (xrf2)  }
0x13b: {  	v1 =	vbroadcast v1, $0xF;
	_ =	sdelay $0x1  }
0x13c: {  	(erf) = vrcp.f32 v1;
	_ =	sdelay $0x3  }
0x13d: {  	v1, _, _ =	vpop (xrf2)  }
0x13e: {  	v2, _, _ =	vpop (xrf2)  }
0x13f: {  	v2 =	vbroadcast v2, $0xF  }
0x140: {  	v1 =	vbroadcast v1, $0xF  }
0x141: {  	v2 =	vnsel vm1, $0x0, v2  }
0x142: {  	v3 =	vpop (erf);
	v1 =	vsel vm2, v2, v1  }
.Ltmp2:
0x143: {  	v1 =	vmul.f32 v1, v3;
	(pc) =	sbr.rel @p0 .LBB2_4-.Ltmp2, $3  }
0x144: {  	_ = 	snop  }
0x145: {  	v1 =	vadd.f32 v1, v0;
	_ =	sdelay $0x1  }
0x146: {  	[tilespmem:s16+$0x10] =	vst v1  }
.Ltmp3:
0x147: {  	(pc) =	sbr.rel .LBB2_2-.Ltmp3, $4  }
0x148: {  	s19 =	sadd.s32 $0x5B0, s18  }
0x149: {  	[tilespmem:s28], [sflag:$0x4] =	stream.indirect.gather [spmem:s3], $0x1, s19, s15, $0xb8;
	[tilespmem:$0x1D350] =	vst v63  }
0x14a: {  	s22 =	sadd.s32 $0x618, s18;
	s17 =	sadd.s32 $0xD00, s17;
	s16 =	sadd.s32 $0x40, s16  }
0x14b: {  	[tilespmem:s30], [sflag:$0x4] =	stream.indirect.gather [spmem:s3], $0x1, s22, s15, $0xb8;
	[tilespmem:$0x1D350] =	vst v63  }
.LBB2_5:
0x14c: {  	_ =	sfence.sel $0x180000  }
0x14d: {  	[bflag:$0x0] =	sbarrier.arrive $0xFFFF  }
0x14e: {  	_ =	strace $0x90000047  }
0x14f: {  	s0 =	stileid.u32;
	[bflag:$0x2] =	sbarrier.arrive $0xFFFF  }
0x150: {  	p0 =	sne.s32 s0, $0x0;
	s0 =	rddreg [dreg:$0x3]  }
0x151: {  	s0 =	sadd.s32 @!p0 $0x100000, s0  }
0x152: {  	[sflag:s0] =	ssyncadd.tile.s32 @!p0 $0x1;
	_ =	shalt  }
.Lfunc_end2:
_tile_overlayer_lowered:
.L_overlay_start_2:
0x153: {  	(tag) =	ssettag $0x2  }
0x154: {  	s0 =	rddreg [dreg:$0x0];
	s2 =	stileid.u32  }
0x155: {  	s1 =	rddreg [dreg:$0x1];
	p0 =	sne.s32 s2, $0x0  }
0x156: {  	s3 =	rddreg [dreg:$0x2];
	[bflag:$0x3] =	sbarrier.arrive $0xFFFF;
	s2 =	simm.s32 @!p0 $0x1C05  }
0x157: {  	[timem:s3], [sflag:s2] =	dma.local @!p0 [hbm:s0], s1  }
0x158: {  	s0 =	simm.s32 @!p0 $0x5  }
0x159: {  	_ =	swait.ge @!p0 [sflag:s0], s1  }
0x15a: {  	s1 =	ssub.s32 @!p0 $0x0, s1;
	[sflag:s0] =	ssyncset.done @!p0 $0x0  }
0x15b: {  	[sflag:s0] =	ssyncadd.s32 @!p0 s1  }
0x15c: {  	[bflag:$0x3] =	sbarrier.arrive $0xFFFF  }
0x15d: {  	_ =	shalt  }

</sc_bundles>
